<compile_context>
chip_gen: v7x
topology: tpu7x:2x2x1
jax: 0.10.2.dev20260603
libtpu: 0.0.44.dev20260713+nightly
codegen_flags: <defaults>
</compile_context>

<pallas_src>
import jax
import jax.numpy as jnp
from jax import lax
from jax.experimental import pallas as pl
from jax.experimental.pallas import tpu as pltpu
from jax.experimental.pallas import tpu_sc as plsc

S = 8192
B = 4
C = 1024
N = S * B

NUM_CORES = 2
NUM_SUBCORES = 16
NW = NUM_CORES * NUM_SUBCORES
ROWS_PER_W = N // NW
CHUNK = 16
NBUF = 4
NCHUNKS = ROWS_PER_W // CHUNK
assert NCHUNKS % NBUF == 0


def _gather_body(idx_hbm, table_hbm, out3_hbm, idx_v, rows, gsems, wsems):
    out_hbm = out3_hbm.reshape(N, C)
    wid = lax.axis_index("s") * NUM_CORES + lax.axis_index("c")
    base = wid * ROWS_PER_W
    pltpu.sync_copy(idx_hbm.at[pl.ds(base, ROWS_PER_W)], idx_v)

    def gstart(c, b):
        pltpu.async_copy(
            table_hbm.at[idx_v.at[pl.ds(c * CHUNK, CHUNK)]], rows.at[b], gsems.at[b]
        )

    def gwait(b):
        pltpu.make_async_copy(
            table_hbm.at[idx_v.at[pl.ds(0, CHUNK)]], rows.at[b], gsems.at[b]
        ).wait()

    def wstart(c, b):
        pltpu.async_copy(
            rows.at[b], out_hbm.at[pl.ds(base + c * CHUNK, CHUNK)], wsems.at[b]
        )

    def wwait(b):
        pltpu.make_async_copy(
            rows.at[b], out_hbm.at[pl.ds(base, CHUNK)], wsems.at[b]
        ).wait()

    for b in range(NBUF):
        gstart(b, b)

    @pl.loop(0, NCHUNKS, step=NBUF)
    def _ring(ci):
        for b in range(NBUF):
            gwait(b)
            wstart(ci + b, b)
        for b in range(NBUF):

            @pl.when(ci + NBUF + b < NCHUNKS)
            def _refill():
                wwait(b)
                gstart(ci + NBUF + b, b)

    for b in range(NBUF):
        wwait(b)


@jax.jit
def _lookup(idx_flat, encoding):
    mesh = plsc.VectorSubcoreMesh(core_axis_name="c", subcore_axis_name="s")
    run = pl.kernel(
        _gather_body,
        out_type=jax.ShapeDtypeStruct((S, B, C), jnp.float32),
        mesh=mesh,
        scratch_types=[
            pltpu.VMEM((ROWS_PER_W,), jnp.int32),
            pltpu.VMEM((NBUF, CHUNK, C), jnp.float32),
            pltpu.SemaphoreType.DMA((NBUF,)),
            pltpu.SemaphoreType.DMA((NBUF,)),
        ],
    )
    return run(idx_flat, encoding)


def kernel(i, encoding):
    s, b = i.shape
    c = encoding.shape[-1]
    idx_flat = i.reshape(-1).astype(jnp.int32)
    return _lookup(idx_flat, encoding)

# --- scband reference (transcript-rebuilt; emitter-appended) ---
"""Pipeline reference for scband-learned-positional-encoding-27230092656859 (READ-ONLY COPY).

The authoritative reference and input builder live on the scoring server;
editing this copy changes nothing except your own understanding.
"""

import jax, jax.numpy as jnp
import numpy as np

S = 8192
B = 4
C = 1024
MAX_LEN = 8192

def setup_inputs(seed: int = 0) -> dict:
    key = jax.random.key(seed)
    k_i, k_enc = jax.random.split(key)
    i = jax.random.randint(k_i, (S, B), 0, MAX_LEN, dtype=jnp.int64 if jax.config.jax_enable_x64 else jnp.int32)
    encoding = jax.random.normal(k_enc, (MAX_LEN, C), dtype=jnp.float32) * 0.02
    return {"i": i, "encoding": encoding}

def reference(i, encoding):
    s, b = i.shape
    c = encoding.shape[-1]
    out = jnp.take(encoding, i.reshape(-1), axis=0)
    return out.reshape(s, b, c)

if __name__ == "__main__":
    import jax
    _d = setup_inputs()
    print(jax.jit(kernel)(*tuple(_d.values())))

</pallas_src>

<mosaic_0001>
#map = affine_map<(d0, d1) -> (0)>
#map1 = affine_map<(d0, d1) -> (0, 0)>
#map2 = affine_map<(d0, d1) -> (0, 0, 0)>
module attributes {stable_mosaic.version = 14 : i64} {
  func.func @_gather_body(%arg0: i32, %arg1: i32, %arg2: memref<32768xi32, #tpu.memory_space<hbm>>, %arg3: memref<8192x1024xf32, #tpu.memory_space<hbm>>, %arg4: memref<8192x4x1024xf32, #tpu.memory_space<hbm>>, %arg5: memref<1024xi32, #tpu.memory_space<vmem>>, %arg6: memref<4x16x1024xf32, #tpu.memory_space<vmem>>, %arg7: memref<4x!tpu.dma_semaphore, #tpu.memory_space<semaphore_mem>>, %arg8: memref<4x!tpu.dma_semaphore, #tpu.memory_space<semaphore_mem>>) attributes {dimension_semantics = [#tpu.dimension_semantics<core_parallel>, #tpu.dimension_semantics<subcore_parallel>], iteration_bounds = array<i64: 2, 16>, scalar_prefetch = 0 : i64, scratch_operands = 4 : i64, tpu.core_type = #tpu.core_type<sc_vector_subcore>, window_params = [{transform_indices = #map}, {transform_indices = #map1}, {transform_indices = #map2}]} {
    %mul3A = arith.constant 2 : i32
    %mul3A_0 = arith.muli %arg1, %mul3A : i32
    %add3A = arith.addi %mul3A_0, %arg0 : i32
    %mul3A_1 = arith.constant 1024 : i32
    %mul3A_2 = arith.muli %add3A, %mul3A_1 : i32
    "tpu.region"() ({
      %run_scoped3A = tpu.sem_alloc : memref<!tpu.dma_semaphore, #tpu.memory_space<semaphore_mem>>
      %dma_start3A_129 = tpu.memref_slice %arg2[%mul3A_2] : memref<32768xi32, #tpu.memory_space<hbm>> -> memref<1024xi32, #tpu.memory_space<hbm>>
      %dma_start3A_130 = tpu.memref_slice %arg2[%mul3A_2] : memref<32768xi32, #tpu.memory_space<hbm>> -> memref<1024xi32, #tpu.memory_space<hbm>>
      tpu.enqueue_dma source(%dma_start3A_130 : memref<1024xi32, #tpu.memory_space<hbm>>) target(%arg5 : memref<1024xi32, #tpu.memory_space<vmem>>) target_semaphore(%run_scoped3A : memref<!tpu.dma_semaphore, #tpu.memory_space<semaphore_mem>>)
      %dma_wait3A_131 = tpu.memref_slice %arg2[%mul3A_2] : memref<32768xi32, #tpu.memory_space<hbm>> -> memref<1024xi32, #tpu.memory_space<hbm>>
      %dma_wait3A_132 = tpu.memref_slice %arg2[%mul3A_2] : memref<32768xi32, #tpu.memory_space<hbm>> -> memref<1024xi32, #tpu.memory_space<hbm>>
      tpu.wait_dma2 semaphore(%run_scoped3A : memref<!tpu.dma_semaphore, #tpu.memory_space<semaphore_mem>>) src(%dma_wait3A_132 : memref<1024xi32, #tpu.memory_space<hbm>>) dst(%arg5 : memref<1024xi32, #tpu.memory_space<vmem>>)
      tpu.yield
    }) : () -> ()
    %dma_start3A = arith.constant 0 : i32
    %dma_start3A_3 = arith.constant 0 : i32
    %dma_start3A_4 = arith.constant 0 : i32
    %dma_start3A_5 = arith.constant 0 : i32
    %dma_start3A_6 = tpu.memref_slice %arg6[%dma_start3A, %dma_start3A_4, %dma_start3A_5] : memref<4x16x1024xf32, #tpu.memory_space<vmem>> -> memref<1x16x1024xf32, #tpu.memory_space<vmem>>
    %dma_start3A_7 = tpu.memref_squeeze %dma_start3A_6 : memref<1x16x1024xf32, #tpu.memory_space<vmem>> -> memref<16x1024xf32, #tpu.memory_space<vmem>>
    %dma_start3A_8 = arith.constant 0 : i32
    %dma_start3A_9 = tpu.memref_slice %arg5[%dma_start3A_8] : memref<1024xi32, #tpu.memory_space<vmem>> -> memref<16xi32, #tpu.memory_space<vmem>>
    %dma_start3A_10 = arith.constant 0 : i32
    %dma_start3A_11 = arith.constant 0 : i32
    %dma_start3A_12 = tpu.memref_slice %arg3[%dma_start3A_10, %dma_start3A_11] : memref<8192x1024xf32, #tpu.memory_space<hbm>> -> memref<8192x1024xf32, #tpu.memory_space<hbm>>
    %dma_start3A_13 = tpu.memref_slice %arg7[%dma_start3A_3] : memref<4x!tpu.dma_semaphore, #tpu.memory_space<semaphore_mem>> -> memref<1x!tpu.dma_semaphore, #tpu.memory_space<semaphore_mem>>
    %dma_start3A_14 = tpu.memref_squeeze %dma_start3A_13 : memref<1x!tpu.dma_semaphore, #tpu.memory_space<semaphore_mem>> -> memref<!tpu.dma_semaphore, #tpu.memory_space<semaphore_mem>>
    tpu.enqueue_indirect_dma source(%dma_start3A_12 : memref<8192x1024xf32, #tpu.memory_space<hbm>>) target(%dma_start3A_7 : memref<16x1024xf32, #tpu.memory_space<vmem>>) offsets(%dma_start3A_9 : memref<16xi32, #tpu.memory_space<vmem>>) semaphore(%dma_start3A_14 : memref<!tpu.dma_semaphore, #tpu.memory_space<semaphore_mem>>)
    %dma_start3A_15 = arith.constant 1 : i32
    %dma_start3A_16 = arith.constant 1 : i32
    %dma_start3A_17 = arith.constant 0 : i32
    %dma_start3A_18 = arith.constant 0 : i32
    %dma_start3A_19 = tpu.memref_slice %arg6[%dma_start3A_15, %dma_start3A_17, %dma_start3A_18] : memref<4x16x1024xf32, #tpu.memory_space<vmem>> -> memref<1x16x1024xf32, #tpu.memory_space<vmem>>
    %dma_start3A_20 = tpu.memref_squeeze %dma_start3A_19 : memref<1x16x1024xf32, #tpu.memory_space<vmem>> -> memref<16x1024xf32, #tpu.memory_space<vmem>>
    %dma_start3A_21 = arith.constant 16 : i32
    %dma_start3A_22 = tpu.memref_slice %arg5[%dma_start3A_21] : memref<1024xi32, #tpu.memory_space<vmem>> -> memref<16xi32, #tpu.memory_space<vmem>>
    %dma_start3A_23 = arith.constant 0 : i32
    %dma_start3A_24 = arith.constant 0 : i32
    %dma_start3A_25 = tpu.memref_slice %arg3[%dma_start3A_23, %dma_start3A_24] : memref<8192x1024xf32, #tpu.memory_space<hbm>> -> memref<8192x1024xf32, #tpu.memory_space<hbm>>
    %dma_start3A_26 = tpu.memref_slice %arg7[%dma_start3A_16] : memref<4x!tpu.dma_semaphore, #tpu.memory_space<semaphore_mem>> -> memref<1x!tpu.dma_semaphore, #tpu.memory_space<semaphore_mem>>
    %dma_start3A_27 = tpu.memref_squeeze %dma_start3A_26 : memref<1x!tpu.dma_semaphore, #tpu.memory_space<semaphore_mem>> -> memref<!tpu.dma_semaphore, #tpu.memory_space<semaphore_mem>>
    tpu.enqueue_indirect_dma source(%dma_start3A_25 : memref<8192x1024xf32, #tpu.memory_space<hbm>>) target(%dma_start3A_20 : memref<16x1024xf32, #tpu.memory_space<vmem>>) offsets(%dma_start3A_22 : memref<16xi32, #tpu.memory_space<vmem>>) semaphore(%dma_start3A_27 : memref<!tpu.dma_semaphore, #tpu.memory_space<semaphore_mem>>)
    %dma_start3A_28 = arith.constant 2 : i32
    %dma_start3A_29 = arith.constant 2 : i32
    %dma_start3A_30 = arith.constant 0 : i32
    %dma_start3A_31 = arith.constant 0 : i32
    %dma_start3A_32 = tpu.memref_slice %arg6[%dma_start3A_28, %dma_start3A_30, %dma_start3A_31] : memref<4x16x1024xf32, #tpu.memory_space<vmem>> -> memref<1x16x1024xf32, #tpu.memory_space<vmem>>
    %dma_start3A_33 = tpu.memref_squeeze %dma_start3A_32 : memref<1x16x1024xf32, #tpu.memory_space<vmem>> -> memref<16x1024xf32, #tpu.memory_space<vmem>>
    %dma_start3A_34 = arith.constant 32 : i32
    %dma_start3A_35 = tpu.memref_slice %arg5[%dma_start3A_34] : memref<1024xi32, #tpu.memory_space<vmem>> -> memref<16xi32, #tpu.memory_space<vmem>>
    %dma_start3A_36 = arith.constant 0 : i32
    %dma_start3A_37 = arith.constant 0 : i32
    %dma_start3A_38 = tpu.memref_slice %arg3[%dma_start3A_36, %dma_start3A_37] : memref<8192x1024xf32, #tpu.memory_space<hbm>> -> memref<8192x1024xf32, #tpu.memory_space<hbm>>
    %dma_start3A_39 = tpu.memref_slice %arg7[%dma_start3A_29] : memref<4x!tpu.dma_semaphore, #tpu.memory_space<semaphore_mem>> -> memref<1x!tpu.dma_semaphore, #tpu.memory_space<semaphore_mem>>
    %dma_start3A_40 = tpu.memref_squeeze %dma_start3A_39 : memref<1x!tpu.dma_semaphore, #tpu.memory_space<semaphore_mem>> -> memref<!tpu.dma_semaphore, #tpu.memory_space<semaphore_mem>>
    tpu.enqueue_indirect_dma source(%dma_start3A_38 : memref<8192x1024xf32, #tpu.memory_space<hbm>>) target(%dma_start3A_33 : memref<16x1024xf32, #tpu.memory_space<vmem>>) offsets(%dma_start3A_35 : memref<16xi32, #tpu.memory_space<vmem>>) semaphore(%dma_start3A_40 : memref<!tpu.dma_semaphore, #tpu.memory_space<semaphore_mem>>)
    %dma_start3A_41 = arith.constant 3 : i32
    %dma_start3A_42 = arith.constant 3 : i32
    %dma_start3A_43 = arith.constant 0 : i32
    %dma_start3A_44 = arith.constant 0 : i32
    %dma_start3A_45 = tpu.memref_slice %arg6[%dma_start3A_41, %dma_start3A_43, %dma_start3A_44] : memref<4x16x1024xf32, #tpu.memory_space<vmem>> -> memref<1x16x1024xf32, #tpu.memory_space<vmem>>
    %dma_start3A_46 = tpu.memref_squeeze %dma_start3A_45 : memref<1x16x1024xf32, #tpu.memory_space<vmem>> -> memref<16x1024xf32, #tpu.memory_space<vmem>>
    %dma_start3A_47 = arith.constant 48 : i32
    %dma_start3A_48 = tpu.memref_slice %arg5[%dma_start3A_47] : memref<1024xi32, #tpu.memory_space<vmem>> -> memref<16xi32, #tpu.memory_space<vmem>>
    %dma_start3A_49 = arith.constant 0 : i32
    %dma_start3A_50 = arith.constant 0 : i32
    %dma_start3A_51 = tpu.memref_slice %arg3[%dma_start3A_49, %dma_start3A_50] : memref<8192x1024xf32, #tpu.memory_space<hbm>> -> memref<8192x1024xf32, #tpu.memory_space<hbm>>
    %dma_start3A_52 = tpu.memref_slice %arg7[%dma_start3A_42] : memref<4x!tpu.dma_semaphore, #tpu.memory_space<semaphore_mem>> -> memref<1x!tpu.dma_semaphore, #tpu.memory_space<semaphore_mem>>
    %dma_start3A_53 = tpu.memref_squeeze %dma_start3A_52 : memref<1x!tpu.dma_semaphore, #tpu.memory_space<semaphore_mem>> -> memref<!tpu.dma_semaphore, #tpu.memory_space<semaphore_mem>>
    tpu.enqueue_indirect_dma source(%dma_start3A_51 : memref<8192x1024xf32, #tpu.memory_space<hbm>>) target(%dma_start3A_46 : memref<16x1024xf32, #tpu.memory_space<vmem>>) offsets(%dma_start3A_48 : memref<16xi32, #tpu.memory_space<vmem>>) semaphore(%dma_start3A_53 : memref<!tpu.dma_semaphore, #tpu.memory_space<semaphore_mem>>)
    %scan3A = arith.constant 0 : i32
    %scan3A_54 = arith.constant 16 : i32
    %scan3A_55 = arith.addi %scan3A, %scan3A_54 : i32
    %scan3A_56 = arith.constant 1 : i32
    scf.for %scan3A_129 = %scan3A to %scan3A_55 step %scan3A_56  : i32 {
      %mul3A_130 = arith.constant 4 : i32
      %mul3A_131 = arith.muli %scan3A_129, %mul3A_130 : i32
      %add3A_132 = arith.constant 0 : i32
      %add3A_133 = arith.addi %add3A_132, %mul3A_131 : i32
      %dma_wait3A_134 = arith.constant 0 : i32
      %dma_wait3A_135 = arith.constant 0 : i32
      %dma_wait3A_136 = arith.constant 0 : i32
      %dma_wait3A_137 = arith.constant 0 : i32
      %dma_wait3A_138 = tpu.memref_slice %arg6[%dma_wait3A_134, %dma_wait3A_136, %dma_wait3A_137] : memref<4x16x1024xf32, #tpu.memory_space<vmem>> -> memref<1x16x1024xf32, #tpu.memory_space<vmem>>
      %dma_wait3A_139 = tpu.memref_squeeze %dma_wait3A_138 : memref<1x16x1024xf32, #tpu.memory_space<vmem>> -> memref<16x1024xf32, #tpu.memory_space<vmem>>
      %dma_wait3A_140 = arith.constant 0 : i32
      %dma_wait3A_141 = tpu.memref_slice %arg5[%dma_wait3A_140] : memref<1024xi32, #tpu.memory_space<vmem>> -> memref<16xi32, #tpu.memory_space<vmem>>
      %dma_wait3A_142 = arith.constant 0 : i32
      %dma_wait3A_143 = arith.constant 0 : i32
      %dma_wait3A_144 = tpu.memref_slice %arg3[%dma_wait3A_142, %dma_wait3A_143] : memref<8192x1024xf32, #tpu.memory_space<hbm>> -> memref<8192x1024xf32, #tpu.memory_space<hbm>>
      %dma_wait3A_145 = tpu.memref_slice %arg7[%dma_wait3A_135] : memref<4x!tpu.dma_semaphore, #tpu.memory_space<semaphore_mem>> -> memref<1x!tpu.dma_semaphore, #tpu.memory_space<semaphore_mem>>
      %dma_wait3A_146 = tpu.memref_squeeze %dma_wait3A_145 : memref<1x!tpu.dma_semaphore, #tpu.memory_space<semaphore_mem>> -> memref<!tpu.dma_semaphore, #tpu.memory_space<semaphore_mem>>
      tpu.wait_indirect_dma semaphore(%dma_wait3A_146 : memref<!tpu.dma_semaphore, #tpu.memory_space<semaphore_mem>>) src(%dma_wait3A_144 : memref<8192x1024xf32, #tpu.memory_space<hbm>>) dst(%dma_wait3A_139 : memref<16x1024xf32, #tpu.memory_space<vmem>>)
      %add3A_147 = arith.constant 0 : i32
      %add3A_148 = arith.addi %add3A_133, %add3A_147 : i32
      %mul3A_149 = arith.constant 16 : i32
      %mul3A_150 = arith.muli %add3A_148, %mul3A_149 : i32
      %add3A_151 = arith.addi %mul3A_2, %mul3A_150 : i32
      %dma_start3A_152 = arith.constant 0 : i32
      %dma_start3A_153 = arith.constant 0 : i32
      %dma_start3A_154 = arith.constant 0 : i32
      %dma_start3A_155 = arith.constant 0 : i32
      %dma_start3A_156 = tpu.memref_slice %arg6[%dma_start3A_152, %dma_start3A_154, %dma_start3A_155] : memref<4x16x1024xf32, #tpu.memory_space<vmem>> -> memref<1x16x1024xf32, #tpu.memory_space<vmem>>
      %dma_start3A_157 = tpu.memref_squeeze %dma_start3A_156 : memref<1x16x1024xf32, #tpu.memory_space<vmem>> -> memref<16x1024xf32, #tpu.memory_space<vmem>>
      %dma_start3A_158 = tpu.memref_reshape %arg4 : memref<8192x4x1024xf32, #tpu.memory_space<hbm>> -> memref<32768x1024xf32, #tpu.memory_space<hbm>>
      %dma_start3A_159 = arith.constant 0 : i32
      %dma_start3A_160 = tpu.memref_slice %dma_start3A_158[%add3A_151, %dma_start3A_159] : memref<32768x1024xf32, #tpu.memory_space<hbm>> -> memref<16x1024xf32, #tpu.memory_space<hbm>>
      %dma_start3A_161 = tpu.memref_slice %arg8[%dma_start3A_153] : memref<4x!tpu.dma_semaphore, #tpu.memory_space<semaphore_mem>> -> memref<1x!tpu.dma_semaphore, #tpu.memory_space<semaphore_mem>>
      %dma_start3A_162 = tpu.memref_squeeze %dma_start3A_161 : memref<1x!tpu.dma_semaphore, #tpu.memory_space<semaphore_mem>> -> memref<!tpu.dma_semaphore, #tpu.memory_space<semaphore_mem>>
      %dma_start3A_163 = tpu.memref_reshape %arg4 : memref<8192x4x1024xf32, #tpu.memory_space<hbm>> -> memref<32768x1024xf32, #tpu.memory_space<hbm>>
      %dma_start3A_164 = arith.constant 0 : i32
      %dma_start3A_165 = tpu.memref_slice %dma_start3A_163[%add3A_151, %dma_start3A_164] : memref<32768x1024xf32, #tpu.memory_space<hbm>> -> memref<16x1024xf32, #tpu.memory_space<hbm>>
      %dma_start3A_166 = arith.constant 0 : i32
      %dma_start3A_167 = arith.constant 0 : i32
      %dma_start3A_168 = tpu.memref_slice %arg6[%dma_start3A_152, %dma_start3A_166, %dma_start3A_167] : memref<4x16x1024xf32, #tpu.memory_space<vmem>> -> memref<1x16x1024xf32, #tpu.memory_space<vmem>>
      %dma_start3A_169 = tpu.memref_squeeze %dma_start3A_168 : memref<1x16x1024xf32, #tpu.memory_space<vmem>> -> memref<16x1024xf32, #tpu.memory_space<vmem>>
      tpu.enqueue_dma source(%dma_start3A_169 : memref<16x1024xf32, #tpu.memory_space<vmem>>) target(%dma_start3A_165 : memref<16x1024xf32, #tpu.memory_space<hbm>>) target_semaphore(%dma_start3A_162 : memref<!tpu.dma_semaphore, #tpu.memory_space<semaphore_mem>>)
      %dma_wait3A_170 = arith.constant 1 : i32
      %dma_wait3A_171 = arith.constant 1 : i32
      %dma_wait3A_172 = arith.constant 0 : i32
      %dma_wait3A_173 = arith.constant 0 : i32
      %dma_wait3A_174 = tpu.memref_slice %arg6[%dma_wait3A_170, %dma_wait3A_172, %dma_wait3A_173] : memref<4x16x1024xf32, #tpu.memory_space<vmem>> -> memref<1x16x1024xf32, #tpu.memory_space<vmem>>
      %dma_wait3A_175 = tpu.memref_squeeze %dma_wait3A_174 : memref<1x16x1024xf32, #tpu.memory_space<vmem>> -> memref<16x1024xf32, #tpu.memory_space<vmem>>
      %dma_wait3A_176 = arith.constant 0 : i32
      %dma_wait3A_177 = tpu.memref_slice %arg5[%dma_wait3A_176] : memref<1024xi32, #tpu.memory_space<vmem>> -> memref<16xi32, #tpu.memory_space<vmem>>
      %dma_wait3A_178 = arith.constant 0 : i32
      %dma_wait3A_179 = arith.constant 0 : i32
      %dma_wait3A_180 = tpu.memref_slice %arg3[%dma_wait3A_178, %dma_wait3A_179] : memref<8192x1024xf32, #tpu.memory_space<hbm>> -> memref<8192x1024xf32, #tpu.memory_space<hbm>>
      %dma_wait3A_181 = tpu.memref_slice %arg7[%dma_wait3A_171] : memref<4x!tpu.dma_semaphore, #tpu.memory_space<semaphore_mem>> -> memref<1x!tpu.dma_semaphore, #tpu.memory_space<semaphore_mem>>
      %dma_wait3A_182 = tpu.memref_squeeze %dma_wait3A_181 : memref<1x!tpu.dma_semaphore, #tpu.memory_space<semaphore_mem>> -> memref<!tpu.dma_semaphore, #tpu.memory_space<semaphore_mem>>
      tpu.wait_indirect_dma semaphore(%dma_wait3A_182 : memref<!tpu.dma_semaphore, #tpu.memory_space<semaphore_mem>>) src(%dma_wait3A_180 : memref<8192x1024xf32, #tpu.memory_space<hbm>>) dst(%dma_wait3A_175 : memref<16x1024xf32, #tpu.memory_space<vmem>>)
      %add3A_183 = arith.constant 1 : i32
      %add3A_184 = arith.addi %add3A_133, %add3A_183 : i32
      %mul3A_185 = arith.constant 16 : i32
      %mul3A_186 = arith.muli %add3A_184, %mul3A_185 : i32
      %add3A_187 = arith.addi %mul3A_2, %mul3A_186 : i32
      %dma_start3A_188 = arith.constant 1 : i32
      %dma_start3A_189 = arith.constant 1 : i32
      %dma_start3A_190 = arith.constant 0 : i32
      %dma_start3A_191 = arith.constant 0 : i32
      %dma_start3A_192 = tpu.memref_slice %arg6[%dma_start3A_188, %dma_start3A_190, %dma_start3A_191] : memref<4x16x1024xf32, #tpu.memory_space<vmem>> -> memref<1x16x1024xf32, #tpu.memory_space<vmem>>
      %dma_start3A_193 = tpu.memref_squeeze %dma_start3A_192 : memref<1x16x1024xf32, #tpu.memory_space<vmem>> -> memref<16x1024xf32, #tpu.memory_space<vmem>>
      %dma_start3A_194 = tpu.memref_reshape %arg4 : memref<8192x4x1024xf32, #tpu.memory_space<hbm>> -> memref<32768x1024xf32, #tpu.memory_space<hbm>>
      %dma_start3A_195 = arith.constant 0 : i32
      %dma_start3A_196 = tpu.memref_slice %dma_start3A_194[%add3A_187, %dma_start3A_195] : memref<32768x1024xf32, #tpu.memory_space<hbm>> -> memref<16x1024xf32, #tpu.memory_space<hbm>>
      %dma_start3A_197 = tpu.memref_slice %arg8[%dma_start3A_189] : memref<4x!tpu.dma_semaphore, #tpu.memory_space<semaphore_mem>> -> memref<1x!tpu.dma_semaphore, #tpu.memory_space<semaphore_mem>>
      %dma_start3A_198 = tpu.memref_squeeze %dma_start3A_197 : memref<1x!tpu.dma_semaphore, #tpu.memory_space<semaphore_mem>> -> memref<!tpu.dma_semaphore, #tpu.memory_space<semaphore_mem>>
      %dma_start3A_199 = tpu.memref_reshape %arg4 : memref<8192x4x1024xf32, #tpu.memory_space<hbm>> -> memref<32768x1024xf32, #tpu.memory_space<hbm>>
      %dma_start3A_200 = arith.constant 0 : i32
      %dma_start3A_201 = tpu.memref_slice %dma_start3A_199[%add3A_187, %dma_start3A_200] : memref<32768x1024xf32, #tpu.memory_space<hbm>> -> memref<16x1024xf32, #tpu.memory_space<hbm>>
      %dma_start3A_202 = arith.constant 0 : i32
      %dma_start3A_203 = arith.constant 0 : i32
      %dma_start3A_204 = tpu.memref_slice %arg6[%dma_start3A_188, %dma_start3A_202, %dma_start3A_203] : memref<4x16x1024xf32, #tpu.memory_space<vmem>> -> memref<1x16x1024xf32, #tpu.memory_space<vmem>>
      %dma_start3A_205 = tpu.memref_squeeze %dma_start3A_204 : memref<1x16x1024xf32, #tpu.memory_space<vmem>> -> memref<16x1024xf32, #tpu.memory_space<vmem>>
      tpu.enqueue_dma source(%dma_start3A_205 : memref<16x1024xf32, #tpu.memory_space<vmem>>) target(%dma_start3A_201 : memref<16x1024xf32, #tpu.memory_space<hbm>>) target_semaphore(%dma_start3A_198 : memref<!tpu.dma_semaphore, #tpu.memory_space<semaphore_mem>>)
      %dma_wait3A_206 = arith.constant 2 : i32
      %dma_wait3A_207 = arith.constant 2 : i32
      %dma_wait3A_208 = arith.constant 0 : i32
      %dma_wait3A_209 = arith.constant 0 : i32
      %dma_wait3A_210 = tpu.memref_slice %arg6[%dma_wait3A_206, %dma_wait3A_208, %dma_wait3A_209] : memref<4x16x1024xf32, #tpu.memory_space<vmem>> -> memref<1x16x1024xf32, #tpu.memory_space<vmem>>
      %dma_wait3A_211 = tpu.memref_squeeze %dma_wait3A_210 : memref<1x16x1024xf32, #tpu.memory_space<vmem>> -> memref<16x1024xf32, #tpu.memory_space<vmem>>
      %dma_wait3A_212 = arith.constant 0 : i32
      %dma_wait3A_213 = tpu.memref_slice %arg5[%dma_wait3A_212] : memref<1024xi32, #tpu.memory_space<vmem>> -> memref<16xi32, #tpu.memory_space<vmem>>
      %dma_wait3A_214 = arith.constant 0 : i32
      %dma_wait3A_215 = arith.constant 0 : i32
      %dma_wait3A_216 = tpu.memref_slice %arg3[%dma_wait3A_214, %dma_wait3A_215] : memref<8192x1024xf32, #tpu.memory_space<hbm>> -> memref<8192x1024xf32, #tpu.memory_space<hbm>>
      %dma_wait3A_217 = tpu.memref_slice %arg7[%dma_wait3A_207] : memref<4x!tpu.dma_semaphore, #tpu.memory_space<semaphore_mem>> -> memref<1x!tpu.dma_semaphore, #tpu.memory_space<semaphore_mem>>
      %dma_wait3A_218 = tpu.memref_squeeze %dma_wait3A_217 : memref<1x!tpu.dma_semaphore, #tpu.memory_space<semaphore_mem>> -> memref<!tpu.dma_semaphore, #tpu.memory_space<semaphore_mem>>
      tpu.wait_indirect_dma semaphore(%dma_wait3A_218 : memref<!tpu.dma_semaphore, #tpu.memory_space<semaphore_mem>>) src(%dma_wait3A_216 : memref<8192x1024xf32, #tpu.memory_space<hbm>>) dst(%dma_wait3A_211 : memref<16x1024xf32, #tpu.memory_space<vmem>>)
      %add3A_219 = arith.constant 2 : i32
      %add3A_220 = arith.addi %add3A_133, %add3A_219 : i32
      %mul3A_221 = arith.constant 16 : i32
      %mul3A_222 = arith.muli %add3A_220, %mul3A_221 : i32
      %add3A_223 = arith.addi %mul3A_2, %mul3A_222 : i32
      %dma_start3A_224 = arith.constant 2 : i32
      %dma_start3A_225 = arith.constant 2 : i32
      %dma_start3A_226 = arith.constant 0 : i32
      %dma_start3A_227 = arith.constant 0 : i32
      %dma_start3A_228 = tpu.memref_slice %arg6[%dma_start3A_224, %dma_start3A_226, %dma_start3A_227] : memref<4x16x1024xf32, #tpu.memory_space<vmem>> -> memref<1x16x1024xf32, #tpu.memory_space<vmem>>
      %dma_start3A_229 = tpu.memref_squeeze %dma_start3A_228 : memref<1x16x1024xf32, #tpu.memory_space<vmem>> -> memref<16x1024xf32, #tpu.memory_space<vmem>>
      %dma_start3A_230 = tpu.memref_reshape %arg4 : memref<8192x4x1024xf32, #tpu.memory_space<hbm>> -> memref<32768x1024xf32, #tpu.memory_space<hbm>>
      %dma_start3A_231 = arith.constant 0 : i32
      %dma_start3A_232 = tpu.memref_slice %dma_start3A_230[%add3A_223, %dma_start3A_231] : memref<32768x1024xf32, #tpu.memory_space<hbm>> -> memref<16x1024xf32, #tpu.memory_space<hbm>>
      %dma_start3A_233 = tpu.memref_slice %arg8[%dma_start3A_225] : memref<4x!tpu.dma_semaphore, #tpu.memory_space<semaphore_mem>> -> memref<1x!tpu.dma_semaphore, #tpu.memory_space<semaphore_mem>>
      %dma_start3A_234 = tpu.memref_squeeze %dma_start3A_233 : memref<1x!tpu.dma_semaphore, #tpu.memory_space<semaphore_mem>> -> memref<!tpu.dma_semaphore, #tpu.memory_space<semaphore_mem>>
      %dma_start3A_235 = tpu.memref_reshape %arg4 : memref<8192x4x1024xf32, #tpu.memory_space<hbm>> -> memref<32768x1024xf32, #tpu.memory_space<hbm>>
      %dma_start3A_236 = arith.constant 0 : i32
      %dma_start3A_237 = tpu.memref_slice %dma_start3A_235[%add3A_223, %dma_start3A_236] : memref<32768x1024xf32, #tpu.memory_space<hbm>> -> memref<16x1024xf32, #tpu.memory_space<hbm>>
      %dma_start3A_238 = arith.constant 0 : i32
      %dma_start3A_239 = arith.constant 0 : i32
      %dma_start3A_240 = tpu.memref_slice %arg6[%dma_start3A_224, %dma_start3A_238, %dma_start3A_239] : memref<4x16x1024xf32, #tpu.memory_space<vmem>> -> memref<1x16x1024xf32, #tpu.memory_space<vmem>>
      %dma_start3A_241 = tpu.memref_squeeze %dma_start3A_240 : memref<1x16x1024xf32, #tpu.memory_space<vmem>> -> memref<16x1024xf32, #tpu.memory_space<vmem>>
      tpu.enqueue_dma source(%dma_start3A_241 : memref<16x1024xf32, #tpu.memory_space<vmem>>) target(%dma_start3A_237 : memref<16x1024xf32, #tpu.memory_space<hbm>>) target_semaphore(%dma_start3A_234 : memref<!tpu.dma_semaphore, #tpu.memory_space<semaphore_mem>>)
      %dma_wait3A_242 = arith.constant 3 : i32
      %dma_wait3A_243 = arith.constant 3 : i32
      %dma_wait3A_244 = arith.constant 0 : i32
      %dma_wait3A_245 = arith.constant 0 : i32
      %dma_wait3A_246 = tpu.memref_slice %arg6[%dma_wait3A_242, %dma_wait3A_244, %dma_wait3A_245] : memref<4x16x1024xf32, #tpu.memory_space<vmem>> -> memref<1x16x1024xf32, #tpu.memory_space<vmem>>
      %dma_wait3A_247 = tpu.memref_squeeze %dma_wait3A_246 : memref<1x16x1024xf32, #tpu.memory_space<vmem>> -> memref<16x1024xf32, #tpu.memory_space<vmem>>
      %dma_wait3A_248 = arith.constant 0 : i32
      %dma_wait3A_249 = tpu.memref_slice %arg5[%dma_wait3A_248] : memref<1024xi32, #tpu.memory_space<vmem>> -> memref<16xi32, #tpu.memory_space<vmem>>
      %dma_wait3A_250 = arith.constant 0 : i32
      %dma_wait3A_251 = arith.constant 0 : i32
      %dma_wait3A_252 = tpu.memref_slice %arg3[%dma_wait3A_250, %dma_wait3A_251] : memref<8192x1024xf32, #tpu.memory_space<hbm>> -> memref<8192x1024xf32, #tpu.memory_space<hbm>>
      %dma_wait3A_253 = tpu.memref_slice %arg7[%dma_wait3A_243] : memref<4x!tpu.dma_semaphore, #tpu.memory_space<semaphore_mem>> -> memref<1x!tpu.dma_semaphore, #tpu.memory_space<semaphore_mem>>
      %dma_wait3A_254 = tpu.memref_squeeze %dma_wait3A_253 : memref<1x!tpu.dma_semaphore, #tpu.memory_space<semaphore_mem>> -> memref<!tpu.dma_semaphore, #tpu.memory_space<semaphore_mem>>
      tpu.wait_indirect_dma semaphore(%dma_wait3A_254 : memref<!tpu.dma_semaphore, #tpu.memory_space<semaphore_mem>>) src(%dma_wait3A_252 : memref<8192x1024xf32, #tpu.memory_space<hbm>>) dst(%dma_wait3A_247 : memref<16x1024xf32, #tpu.memory_space<vmem>>)
      %add3A_255 = arith.constant 3 : i32
      %add3A_256 = arith.addi %add3A_133, %add3A_255 : i32
      %mul3A_257 = arith.constant 16 : i32
      %mul3A_258 = arith.muli %add3A_256, %mul3A_257 : i32
      %add3A_259 = arith.addi %mul3A_2, %mul3A_258 : i32
      %dma_start3A_260 = arith.constant 3 : i32
      %dma_start3A_261 = arith.constant 3 : i32
      %dma_start3A_262 = arith.constant 0 : i32
      %dma_start3A_263 = arith.constant 0 : i32
      %dma_start3A_264 = tpu.memref_slice %arg6[%dma_start3A_260, %dma_start3A_262, %dma_start3A_263] : memref<4x16x1024xf32, #tpu.memory_space<vmem>> -> memref<1x16x1024xf32, #tpu.memory_space<vmem>>
      %dma_start3A_265 = tpu.memref_squeeze %dma_start3A_264 : memref<1x16x1024xf32, #tpu.memory_space<vmem>> -> memref<16x1024xf32, #tpu.memory_space<vmem>>
      %dma_start3A_266 = tpu.memref_reshape %arg4 : memref<8192x4x1024xf32, #tpu.memory_space<hbm>> -> memref<32768x1024xf32, #tpu.memory_space<hbm>>
      %dma_start3A_267 = arith.constant 0 : i32
      %dma_start3A_268 = tpu.memref_slice %dma_start3A_266[%add3A_259, %dma_start3A_267] : memref<32768x1024xf32, #tpu.memory_space<hbm>> -> memref<16x1024xf32, #tpu.memory_space<hbm>>
      %dma_start3A_269 = tpu.memref_slice %arg8[%dma_start3A_261] : memref<4x!tpu.dma_semaphore, #tpu.memory_space<semaphore_mem>> -> memref<1x!tpu.dma_semaphore, #tpu.memory_space<semaphore_mem>>
      %dma_start3A_270 = tpu.memref_squeeze %dma_start3A_269 : memref<1x!tpu.dma_semaphore, #tpu.memory_space<semaphore_mem>> -> memref<!tpu.dma_semaphore, #tpu.memory_space<semaphore_mem>>
      %dma_start3A_271 = tpu.memref_reshape %arg4 : memref<8192x4x1024xf32, #tpu.memory_space<hbm>> -> memref<32768x1024xf32, #tpu.memory_space<hbm>>
      %dma_start3A_272 = arith.constant 0 : i32
      %dma_start3A_273 = tpu.memref_slice %dma_start3A_271[%add3A_259, %dma_start3A_272] : memref<32768x1024xf32, #tpu.memory_space<hbm>> -> memref<16x1024xf32, #tpu.memory_space<hbm>>
      %dma_start3A_274 = arith.constant 0 : i32
      %dma_start3A_275 = arith.constant 0 : i32
      %dma_start3A_276 = tpu.memref_slice %arg6[%dma_start3A_260, %dma_start3A_274, %dma_start3A_275] : memref<4x16x1024xf32, #tpu.memory_space<vmem>> -> memref<1x16x1024xf32, #tpu.memory_space<vmem>>
      %dma_start3A_277 = tpu.memref_squeeze %dma_start3A_276 : memref<1x16x1024xf32, #tpu.memory_space<vmem>> -> memref<16x1024xf32, #tpu.memory_space<vmem>>
      tpu.enqueue_dma source(%dma_start3A_277 : memref<16x1024xf32, #tpu.memory_space<vmem>>) target(%dma_start3A_273 : memref<16x1024xf32, #tpu.memory_space<hbm>>) target_semaphore(%dma_start3A_270 : memref<!tpu.dma_semaphore, #tpu.memory_space<semaphore_mem>>)
      %add3A_278 = arith.constant 4 : i32
      %add3A_279 = arith.addi %add3A_133, %add3A_278 : i32
      %add3A_280 = arith.constant 0 : i32
      %add3A_281 = arith.addi %add3A_279, %add3A_280 : i32
      %lt3A = arith.constant 64 : i32
      %lt3A_282 = arith.cmpi slt, %add3A_281, %lt3A : i32
      %convert_element_type3A = arith.extui %lt3A_282 : i1 to i32
      %cond3A = arith.constant 0 : i32
      %cond3A_283 = arith.cmpi ne, %convert_element_type3A, %cond3A : i32
      scf.if %cond3A_283 {
        %dma_wait3A_311 = arith.constant 0 : i32
        %dma_wait3A_312 = arith.constant 0 : i32
        %dma_wait3A_313 = arith.constant 0 : i32
        %dma_wait3A_314 = arith.constant 0 : i32
        %dma_wait3A_315 = tpu.memref_slice %arg6[%dma_wait3A_311, %dma_wait3A_313, %dma_wait3A_314] : memref<4x16x1024xf32, #tpu.memory_space<vmem>> -> memref<1x16x1024xf32, #tpu.memory_space<vmem>>
        %dma_wait3A_316 = tpu.memref_squeeze %dma_wait3A_315 : memref<1x16x1024xf32, #tpu.memory_space<vmem>> -> memref<16x1024xf32, #tpu.memory_space<vmem>>
        %dma_wait3A_317 = tpu.memref_reshape %arg4 : memref<8192x4x1024xf32, #tpu.memory_space<hbm>> -> memref<32768x1024xf32, #tpu.memory_space<hbm>>
        %dma_wait3A_318 = arith.constant 0 : i32
        %dma_wait3A_319 = tpu.memref_slice %dma_wait3A_317[%mul3A_2, %dma_wait3A_318] : memref<32768x1024xf32, #tpu.memory_space<hbm>> -> memref<16x1024xf32, #tpu.memory_space<hbm>>
        %dma_wait3A_320 = tpu.memref_slice %arg8[%dma_wait3A_312] : memref<4x!tpu.dma_semaphore, #tpu.memory_space<semaphore_mem>> -> memref<1x!tpu.dma_semaphore, #tpu.memory_space<semaphore_mem>>
        %dma_wait3A_321 = tpu.memref_squeeze %dma_wait3A_320 : memref<1x!tpu.dma_semaphore, #tpu.memory_space<semaphore_mem>> -> memref<!tpu.dma_semaphore, #tpu.memory_space<semaphore_mem>>
        %dma_wait3A_322 = tpu.memref_reshape %arg4 : memref<8192x4x1024xf32, #tpu.memory_space<hbm>> -> memref<32768x1024xf32, #tpu.memory_space<hbm>>
        %dma_wait3A_323 = arith.constant 0 : i32
        %dma_wait3A_324 = tpu.memref_slice %dma_wait3A_322[%mul3A_2, %dma_wait3A_323] : memref<32768x1024xf32, #tpu.memory_space<hbm>> -> memref<16x1024xf32, #tpu.memory_space<hbm>>
        %dma_wait3A_325 = arith.constant 0 : i32
        %dma_wait3A_326 = arith.constant 0 : i32
        %dma_wait3A_327 = tpu.memref_slice %arg6[%dma_wait3A_311, %dma_wait3A_325, %dma_wait3A_326] : memref<4x16x1024xf32, #tpu.memory_space<vmem>> -> memref<1x16x1024xf32, #tpu.memory_space<vmem>>
        %dma_wait3A_328 = tpu.memref_squeeze %dma_wait3A_327 : memref<1x16x1024xf32, #tpu.memory_space<vmem>> -> memref<16x1024xf32, #tpu.memory_space<vmem>>
        tpu.wait_dma2 semaphore(%dma_wait3A_321 : memref<!tpu.dma_semaphore, #tpu.memory_space<semaphore_mem>>) src(%dma_wait3A_328 : memref<16x1024xf32, #tpu.memory_space<vmem>>) dst(%dma_wait3A_324 : memref<16x1024xf32, #tpu.memory_space<hbm>>)
        %add3A_329 = arith.constant 4 : i32
        %add3A_330 = arith.addi %add3A_133, %add3A_329 : i32
        %add3A_331 = arith.constant 0 : i32
        %add3A_332 = arith.addi %add3A_330, %add3A_331 : i32
        %mul3A_333 = arith.constant 16 : i32
        %mul3A_334 = arith.muli %add3A_332, %mul3A_333 : i32
        %dma_start3A_335 = arith.constant 0 : i32
        %dma_start3A_336 = arith.constant 0 : i32
        %dma_start3A_337 = arith.constant 0 : i32
        %dma_start3A_338 = arith.constant 0 : i32
        %dma_start3A_339 = tpu.memref_slice %arg6[%dma_start3A_335, %dma_start3A_337, %dma_start3A_338] : memref<4x16x1024xf32, #tpu.memory_space<vmem>> -> memref<1x16x1024xf32, #tpu.memory_space<vmem>>
        %dma_start3A_340 = tpu.memref_squeeze %dma_start3A_339 : memref<1x16x1024xf32, #tpu.memory_space<vmem>> -> memref<16x1024xf32, #tpu.memory_space<vmem>>
        %dma_start3A_341 = tpu.memref_slice %arg5[%mul3A_334] : memref<1024xi32, #tpu.memory_space<vmem>> -> memref<16xi32, #tpu.memory_space<vmem>>
        %dma_start3A_342 = arith.constant 0 : i32
        %dma_start3A_343 = arith.constant 0 : i32
        %dma_start3A_344 = tpu.memref_slice %arg3[%dma_start3A_342, %dma_start3A_343] : memref<8192x1024xf32, #tpu.memory_space<hbm>> -> memref<8192x1024xf32, #tpu.memory_space<hbm>>
        %dma_start3A_345 = tpu.memref_slice %arg7[%dma_start3A_336] : memref<4x!tpu.dma_semaphore, #tpu.memory_space<semaphore_mem>> -> memref<1x!tpu.dma_semaphore, #tpu.memory_space<semaphore_mem>>
        %dma_start3A_346 = tpu.memref_squeeze %dma_start3A_345 : memref<1x!tpu.dma_semaphore, #tpu.memory_space<semaphore_mem>> -> memref<!tpu.dma_semaphore, #tpu.memory_space<semaphore_mem>>
        tpu.enqueue_indirect_dma source(%dma_start3A_344 : memref<8192x1024xf32, #tpu.memory_space<hbm>>) target(%dma_start3A_340 : memref<16x1024xf32, #tpu.memory_space<vmem>>) offsets(%dma_start3A_341 : memref<16xi32, #tpu.memory_space<vmem>>) semaphore(%dma_start3A_346 : memref<!tpu.dma_semaphore, #tpu.memory_space<semaphore_mem>>)
      } else {
      }
      %add3A_284 = arith.constant 4 : i32
      %add3A_285 = arith.addi %add3A_133, %add3A_284 : i32
      %add3A_286 = arith.constant 1 : i32
      %add3A_287 = arith.addi %add3A_285, %add3A_286 : i32
      %lt3A_288 = arith.constant 64 : i32
      %lt3A_289 = arith.cmpi slt, %add3A_287, %lt3A_288 : i32
      %convert_element_type3A_290 = arith.extui %lt3A_289 : i1 to i32
      %cond3A_291 = arith.constant 0 : i32
      %cond3A_292 = arith.cmpi ne, %convert_element_type3A_290, %cond3A_291 : i32
      scf.if %cond3A_292 {
        %dma_wait3A_311 = arith.constant 1 : i32
        %dma_wait3A_312 = arith.constant 1 : i32
        %dma_wait3A_313 = arith.constant 0 : i32
        %dma_wait3A_314 = arith.constant 0 : i32
        %dma_wait3A_315 = tpu.memref_slice %arg6[%dma_wait3A_311, %dma_wait3A_313, %dma_wait3A_314] : memref<4x16x1024xf32, #tpu.memory_space<vmem>> -> memref<1x16x1024xf32, #tpu.memory_space<vmem>>
        %dma_wait3A_316 = tpu.memref_squeeze %dma_wait3A_315 : memref<1x16x1024xf32, #tpu.memory_space<vmem>> -> memref<16x1024xf32, #tpu.memory_space<vmem>>
        %dma_wait3A_317 = tpu.memref_reshape %arg4 : memref<8192x4x1024xf32, #tpu.memory_space<hbm>> -> memref<32768x1024xf32, #tpu.memory_space<hbm>>
        %dma_wait3A_318 = arith.constant 0 : i32
        %dma_wait3A_319 = tpu.memref_slice %dma_wait3A_317[%mul3A_2, %dma_wait3A_318] : memref<32768x1024xf32, #tpu.memory_space<hbm>> -> memref<16x1024xf32, #tpu.memory_space<hbm>>
        %dma_wait3A_320 = tpu.memref_slice %arg8[%dma_wait3A_312] : memref<4x!tpu.dma_semaphore, #tpu.memory_space<semaphore_mem>> -> memref<1x!tpu.dma_semaphore, #tpu.memory_space<semaphore_mem>>
        %dma_wait3A_321 = tpu.memref_squeeze %dma_wait3A_320 : memref<1x!tpu.dma_semaphore, #tpu.memory_space<semaphore_mem>> -> memref<!tpu.dma_semaphore, #tpu.memory_space<semaphore_mem>>
        %dma_wait3A_322 = tpu.memref_reshape %arg4 : memref<8192x4x1024xf32, #tpu.memory_space<hbm>> -> memref<32768x1024xf32, #tpu.memory_space<hbm>>
        %dma_wait3A_323 = arith.constant 0 : i32
        %dma_wait3A_324 = tpu.memref_slice %dma_wait3A_322[%mul3A_2, %dma_wait3A_323] : memref<32768x1024xf32, #tpu.memory_space<hbm>> -> memref<16x1024xf32, #tpu.memory_space<hbm>>
        %dma_wait3A_325 = arith.constant 0 : i32
        %dma_wait3A_326 = arith.constant 0 : i32
        %dma_wait3A_327 = tpu.memref_slice %arg6[%dma_wait3A_311, %dma_wait3A_325, %dma_wait3A_326] : memref<4x16x1024xf32, #tpu.memory_space<vmem>> -> memref<1x16x1024xf32, #tpu.memory_space<vmem>>
        %dma_wait3A_328 = tpu.memref_squeeze %dma_wait3A_327 : memref<1x16x1024xf32, #tpu.memory_space<vmem>> -> memref<16x1024xf32, #tpu.memory_space<vmem>>
        tpu.wait_dma2 semaphore(%dma_wait3A_321 : memref<!tpu.dma_semaphore, #tpu.memory_space<semaphore_mem>>) src(%dma_wait3A_328 : memref<16x1024xf32, #tpu.memory_space<vmem>>) dst(%dma_wait3A_324 : memref<16x1024xf32, #tpu.memory_space<hbm>>)
        %add3A_329 = arith.constant 4 : i32
        %add3A_330 = arith.addi %add3A_133, %add3A_329 : i32
        %add3A_331 = arith.constant 1 : i32
        %add3A_332 = arith.addi %add3A_330, %add3A_331 : i32
        %mul3A_333 = arith.constant 16 : i32
        %mul3A_334 = arith.muli %add3A_332, %mul3A_333 : i32
        %dma_start3A_335 = arith.constant 1 : i32
        %dma_start3A_336 = arith.constant 1 : i32
        %dma_start3A_337 = arith.constant 0 : i32
        %dma_start3A_338 = arith.constant 0 : i32
        %dma_start3A_339 = tpu.memref_slice %arg6[%dma_start3A_335, %dma_start3A_337, %dma_start3A_338] : memref<4x16x1024xf32, #tpu.memory_space<vmem>> -> memref<1x16x1024xf32, #tpu.memory_space<vmem>>
        %dma_start3A_340 = tpu.memref_squeeze %dma_start3A_339 : memref<1x16x1024xf32, #tpu.memory_space<vmem>> -> memref<16x1024xf32, #tpu.memory_space<vmem>>
        %dma_start3A_341 = tpu.memref_slice %arg5[%mul3A_334] : memref<1024xi32, #tpu.memory_space<vmem>> -> memref<16xi32, #tpu.memory_space<vmem>>
        %dma_start3A_342 = arith.constant 0 : i32
        %dma_start3A_343 = arith.constant 0 : i32
        %dma_start3A_344 = tpu.memref_slice %arg3[%dma_start3A_342, %dma_start3A_343] : memref<8192x1024xf32, #tpu.memory_space<hbm>> -> memref<8192x1024xf32, #tpu.memory_space<hbm>>
        %dma_start3A_345 = tpu.memref_slice %arg7[%dma_start3A_336] : memref<4x!tpu.dma_semaphore, #tpu.memory_space<semaphore_mem>> -> memref<1x!tpu.dma_semaphore, #tpu.memory_space<semaphore_mem>>
        %dma_start3A_346 = tpu.memref_squeeze %dma_start3A_345 : memref<1x!tpu.dma_semaphore, #tpu.memory_space<semaphore_mem>> -> memref<!tpu.dma_semaphore, #tpu.memory_space<semaphore_mem>>
        tpu.enqueue_indirect_dma source(%dma_start3A_344 : memref<8192x1024xf32, #tpu.memory_space<hbm>>) target(%dma_start3A_340 : memref<16x1024xf32, #tpu.memory_space<vmem>>) offsets(%dma_start3A_341 : memref<16xi32, #tpu.memory_space<vmem>>) semaphore(%dma_start3A_346 : memref<!tpu.dma_semaphore, #tpu.memory_space<semaphore_mem>>)
      } else {
      }
      %add3A_293 = arith.constant 4 : i32
      %add3A_294 = arith.addi %add3A_133, %add3A_293 : i32
      %add3A_295 = arith.constant 2 : i32
      %add3A_296 = arith.addi %add3A_294, %add3A_295 : i32
      %lt3A_297 = arith.constant 64 : i32
      %lt3A_298 = arith.cmpi slt, %add3A_296, %lt3A_297 : i32
      %convert_element_type3A_299 = arith.extui %lt3A_298 : i1 to i32
      %cond3A_300 = arith.constant 0 : i32
      %cond3A_301 = arith.cmpi ne, %convert_element_type3A_299, %cond3A_300 : i32
      scf.if %cond3A_301 {
        %dma_wait3A_311 = arith.constant 2 : i32
        %dma_wait3A_312 = arith.constant 2 : i32
        %dma_wait3A_313 = arith.constant 0 : i32
        %dma_wait3A_314 = arith.constant 0 : i32
        %dma_wait3A_315 = tpu.memref_slice %arg6[%dma_wait3A_311, %dma_wait3A_313, %dma_wait3A_314] : memref<4x16x1024xf32, #tpu.memory_space<vmem>> -> memref<1x16x1024xf32, #tpu.memory_space<vmem>>
        %dma_wait3A_316 = tpu.memref_squeeze %dma_wait3A_315 : memref<1x16x1024xf32, #tpu.memory_space<vmem>> -> memref<16x1024xf32, #tpu.memory_space<vmem>>
        %dma_wait3A_317 = tpu.memref_reshape %arg4 : memref<8192x4x1024xf32, #tpu.memory_space<hbm>> -> memref<32768x1024xf32, #tpu.memory_space<hbm>>
        %dma_wait3A_318 = arith.constant 0 : i32
        %dma_wait3A_319 = tpu.memref_slice %dma_wait3A_317[%mul3A_2, %dma_wait3A_318] : memref<32768x1024xf32, #tpu.memory_space<hbm>> -> memref<16x1024xf32, #tpu.memory_space<hbm>>
        %dma_wait3A_320 = tpu.memref_slice %arg8[%dma_wait3A_312] : memref<4x!tpu.dma_semaphore, #tpu.memory_space<semaphore_mem>> -> memref<1x!tpu.dma_semaphore, #tpu.memory_space<semaphore_mem>>
        %dma_wait3A_321 = tpu.memref_squeeze %dma_wait3A_320 : memref<1x!tpu.dma_semaphore, #tpu.memory_space<semaphore_mem>> -> memref<!tpu.dma_semaphore, #tpu.memory_space<semaphore_mem>>
        %dma_wait3A_322 = tpu.memref_reshape %arg4 : memref<8192x4x1024xf32, #tpu.memory_space<hbm>> -> memref<32768x1024xf32, #tpu.memory_space<hbm>>
        %dma_wait3A_323 = arith.constant 0 : i32
        %dma_wait3A_324 = tpu.memref_slice %dma_wait3A_322[%mul3A_2, %dma_wait3A_323] : memref<32768x1024xf32, #tpu.memory_space<hbm>> -> memref<16x1024xf32, #tpu.memory_space<hbm>>
        %dma_wait3A_325 = arith.constant 0 : i32
        %dma_wait3A_326 = arith.constant 0 : i32
        %dma_wait3A_327 = tpu.memref_slice %arg6[%dma_wait3A_311, %dma_wait3A_325, %dma_wait3A_326] : memref<4x16x1024xf32, #tpu.memory_space<vmem>> -> memref<1x16x1024xf32, #tpu.memory_space<vmem>>
        %dma_wait3A_328 = tpu.memref_squeeze %dma_wait3A_327 : memref<1x16x1024xf32, #tpu.memory_space<vmem>> -> memref<16x1024xf32, #tpu.memory_space<vmem>>
        tpu.wait_dma2 semaphore(%dma_wait3A_321 : memref<!tpu.dma_semaphore, #tpu.memory_space<semaphore_mem>>) src(%dma_wait3A_328 : memref<16x1024xf32, #tpu.memory_space<vmem>>) dst(%dma_wait3A_324 : memref<16x1024xf32, #tpu.memory_space<hbm>>)
        %add3A_329 = arith.constant 4 : i32
        %add3A_330 = arith.addi %add3A_133, %add3A_329 : i32
        %add3A_331 = arith.constant 2 : i32
        %add3A_332 = arith.addi %add3A_330, %add3A_331 : i32
        %mul3A_333 = arith.constant 16 : i32
        %mul3A_334 = arith.muli %add3A_332, %mul3A_333 : i32
        %dma_start3A_335 = arith.constant 2 : i32
        %dma_start3A_336 = arith.constant 2 : i32
        %dma_start3A_337 = arith.constant 0 : i32
        %dma_start3A_338 = arith.constant 0 : i32
        %dma_start3A_339 = tpu.memref_slice %arg6[%dma_start3A_335, %dma_start3A_337, %dma_start3A_338] : memref<4x16x1024xf32, #tpu.memory_space<vmem>> -> memref<1x16x1024xf32, #tpu.memory_space<vmem>>
        %dma_start3A_340 = tpu.memref_squeeze %dma_start3A_339 : memref<1x16x1024xf32, #tpu.memory_space<vmem>> -> memref<16x1024xf32, #tpu.memory_space<vmem>>
        %dma_start3A_341 = tpu.memref_slice %arg5[%mul3A_334] : memref<1024xi32, #tpu.memory_space<vmem>> -> memref<16xi32, #tpu.memory_space<vmem>>
        %dma_start3A_342 = arith.constant 0 : i32
        %dma_start3A_343 = arith.constant 0 : i32
        %dma_start3A_344 = tpu.memref_slice %arg3[%dma_start3A_342, %dma_start3A_343] : memref<8192x1024xf32, #tpu.memory_space<hbm>> -> memref<8192x1024xf32, #tpu.memory_space<hbm>>
        %dma_start3A_345 = tpu.memref_slice %arg7[%dma_start3A_336] : memref<4x!tpu.dma_semaphore, #tpu.memory_space<semaphore_mem>> -> memref<1x!tpu.dma_semaphore, #tpu.memory_space<semaphore_mem>>
        %dma_start3A_346 = tpu.memref_squeeze %dma_start3A_345 : memref<1x!tpu.dma_semaphore, #tpu.memory_space<semaphore_mem>> -> memref<!tpu.dma_semaphore, #tpu.memory_space<semaphore_mem>>
        tpu.enqueue_indirect_dma source(%dma_start3A_344 : memref<8192x1024xf32, #tpu.memory_space<hbm>>) target(%dma_start3A_340 : memref<16x1024xf32, #tpu.memory_space<vmem>>) offsets(%dma_start3A_341 : memref<16xi32, #tpu.memory_space<vmem>>) semaphore(%dma_start3A_346 : memref<!tpu.dma_semaphore, #tpu.memory_space<semaphore_mem>>)
      } else {
      }
      %add3A_302 = arith.constant 4 : i32
      %add3A_303 = arith.addi %add3A_133, %add3A_302 : i32
      %add3A_304 = arith.constant 3 : i32
      %add3A_305 = arith.addi %add3A_303, %add3A_304 : i32
      %lt3A_306 = arith.constant 64 : i32
      %lt3A_307 = arith.cmpi slt, %add3A_305, %lt3A_306 : i32
      %convert_element_type3A_308 = arith.extui %lt3A_307 : i1 to i32
      %cond3A_309 = arith.constant 0 : i32
      %cond3A_310 = arith.cmpi ne, %convert_element_type3A_308, %cond3A_309 : i32
      scf.if %cond3A_310 {
        %dma_wait3A_311 = arith.constant 3 : i32
        %dma_wait3A_312 = arith.constant 3 : i32
        %dma_wait3A_313 = arith.constant 0 : i32
        %dma_wait3A_314 = arith.constant 0 : i32
        %dma_wait3A_315 = tpu.memref_slice %arg6[%dma_wait3A_311, %dma_wait3A_313, %dma_wait3A_314] : memref<4x16x1024xf32, #tpu.memory_space<vmem>> -> memref<1x16x1024xf32, #tpu.memory_space<vmem>>
        %dma_wait3A_316 = tpu.memref_squeeze %dma_wait3A_315 : memref<1x16x1024xf32, #tpu.memory_space<vmem>> -> memref<16x1024xf32, #tpu.memory_space<vmem>>
        %dma_wait3A_317 = tpu.memref_reshape %arg4 : memref<8192x4x1024xf32, #tpu.memory_space<hbm>> -> memref<32768x1024xf32, #tpu.memory_space<hbm>>
        %dma_wait3A_318 = arith.constant 0 : i32
        %dma_wait3A_319 = tpu.memref_slice %dma_wait3A_317[%mul3A_2, %dma_wait3A_318] : memref<32768x1024xf32, #tpu.memory_space<hbm>> -> memref<16x1024xf32, #tpu.memory_space<hbm>>
        %dma_wait3A_320 = tpu.memref_slice %arg8[%dma_wait3A_312] : memref<4x!tpu.dma_semaphore, #tpu.memory_space<semaphore_mem>> -> memref<1x!tpu.dma_semaphore, #tpu.memory_space<semaphore_mem>>
        %dma_wait3A_321 = tpu.memref_squeeze %dma_wait3A_320 : memref<1x!tpu.dma_semaphore, #tpu.memory_space<semaphore_mem>> -> memref<!tpu.dma_semaphore, #tpu.memory_space<semaphore_mem>>
        %dma_wait3A_322 = tpu.memref_reshape %arg4 : memref<8192x4x1024xf32, #tpu.memory_space<hbm>> -> memref<32768x1024xf32, #tpu.memory_space<hbm>>
        %dma_wait3A_323 = arith.constant 0 : i32
        %dma_wait3A_324 = tpu.memref_slice %dma_wait3A_322[%mul3A_2, %dma_wait3A_323] : memref<32768x1024xf32, #tpu.memory_space<hbm>> -> memref<16x1024xf32, #tpu.memory_space<hbm>>
        %dma_wait3A_325 = arith.constant 0 : i32
        %dma_wait3A_326 = arith.constant 0 : i32
        %dma_wait3A_327 = tpu.memref_slice %arg6[%dma_wait3A_311, %dma_wait3A_325, %dma_wait3A_326] : memref<4x16x1024xf32, #tpu.memory_space<vmem>> -> memref<1x16x1024xf32, #tpu.memory_space<vmem>>
        %dma_wait3A_328 = tpu.memref_squeeze %dma_wait3A_327 : memref<1x16x1024xf32, #tpu.memory_space<vmem>> -> memref<16x1024xf32, #tpu.memory_space<vmem>>
        tpu.wait_dma2 semaphore(%dma_wait3A_321 : memref<!tpu.dma_semaphore, #tpu.memory_space<semaphore_mem>>) src(%dma_wait3A_328 : memref<16x1024xf32, #tpu.memory_space<vmem>>) dst(%dma_wait3A_324 : memref<16x1024xf32, #tpu.memory_space<hbm>>)
        %add3A_329 = arith.constant 4 : i32
        %add3A_330 = arith.addi %add3A_133, %add3A_329 : i32
        %add3A_331 = arith.constant 3 : i32
        %add3A_332 = arith.addi %add3A_330, %add3A_331 : i32
        %mul3A_333 = arith.constant 16 : i32
        %mul3A_334 = arith.muli %add3A_332, %mul3A_333 : i32
        %dma_start3A_335 = arith.constant 3 : i32
        %dma_start3A_336 = arith.constant 3 : i32
        %dma_start3A_337 = arith.constant 0 : i32
        %dma_start3A_338 = arith.constant 0 : i32
        %dma_start3A_339 = tpu.memref_slice %arg6[%dma_start3A_335, %dma_start3A_337, %dma_start3A_338] : memref<4x16x1024xf32, #tpu.memory_space<vmem>> -> memref<1x16x1024xf32, #tpu.memory_space<vmem>>
        %dma_start3A_340 = tpu.memref_squeeze %dma_start3A_339 : memref<1x16x1024xf32, #tpu.memory_space<vmem>> -> memref<16x1024xf32, #tpu.memory_space<vmem>>
        %dma_start3A_341 = tpu.memref_slice %arg5[%mul3A_334] : memref<1024xi32, #tpu.memory_space<vmem>> -> memref<16xi32, #tpu.memory_space<vmem>>
        %dma_start3A_342 = arith.constant 0 : i32
        %dma_start3A_343 = arith.constant 0 : i32
        %dma_start3A_344 = tpu.memref_slice %arg3[%dma_start3A_342, %dma_start3A_343] : memref<8192x1024xf32, #tpu.memory_space<hbm>> -> memref<8192x1024xf32, #tpu.memory_space<hbm>>
        %dma_start3A_345 = tpu.memref_slice %arg7[%dma_start3A_336] : memref<4x!tpu.dma_semaphore, #tpu.memory_space<semaphore_mem>> -> memref<1x!tpu.dma_semaphore, #tpu.memory_space<semaphore_mem>>
        %dma_start3A_346 = tpu.memref_squeeze %dma_start3A_345 : memref<1x!tpu.dma_semaphore, #tpu.memory_space<semaphore_mem>> -> memref<!tpu.dma_semaphore, #tpu.memory_space<semaphore_mem>>
        tpu.enqueue_indirect_dma source(%dma_start3A_344 : memref<8192x1024xf32, #tpu.memory_space<hbm>>) target(%dma_start3A_340 : memref<16x1024xf32, #tpu.memory_space<vmem>>) offsets(%dma_start3A_341 : memref<16xi32, #tpu.memory_space<vmem>>) semaphore(%dma_start3A_346 : memref<!tpu.dma_semaphore, #tpu.memory_space<semaphore_mem>>)
      } else {
      }
    }
    %scan3A_57 = arith.constant 16 : i32
    %dma_wait3A = arith.constant 0 : i32
    %dma_wait3A_58 = arith.constant 0 : i32
    %dma_wait3A_59 = arith.constant 0 : i32
    %dma_wait3A_60 = arith.constant 0 : i32
    %dma_wait3A_61 = tpu.memref_slice %arg6[%dma_wait3A, %dma_wait3A_59, %dma_wait3A_60] : memref<4x16x1024xf32, #tpu.memory_space<vmem>> -> memref<1x16x1024xf32, #tpu.memory_space<vmem>>
    %dma_wait3A_62 = tpu.memref_squeeze %dma_wait3A_61 : memref<1x16x1024xf32, #tpu.memory_space<vmem>> -> memref<16x1024xf32, #tpu.memory_space<vmem>>
    %dma_wait3A_63 = tpu.memref_reshape %arg4 : memref<8192x4x1024xf32, #tpu.memory_space<hbm>> -> memref<32768x1024xf32, #tpu.memory_space<hbm>>
    %dma_wait3A_64 = arith.constant 0 : i32
    %dma_wait3A_65 = tpu.memref_slice %dma_wait3A_63[%mul3A_2, %dma_wait3A_64] : memref<32768x1024xf32, #tpu.memory_space<hbm>> -> memref<16x1024xf32, #tpu.memory_space<hbm>>
    %dma_wait3A_66 = tpu.memref_slice %arg8[%dma_wait3A_58] : memref<4x!tpu.dma_semaphore, #tpu.memory_space<semaphore_mem>> -> memref<1x!tpu.dma_semaphore, #tpu.memory_space<semaphore_mem>>
    %dma_wait3A_67 = tpu.memref_squeeze %dma_wait3A_66 : memref<1x!tpu.dma_semaphore, #tpu.memory_space<semaphore_mem>> -> memref<!tpu.dma_semaphore, #tpu.memory_space<semaphore_mem>>
    %dma_wait3A_68 = tpu.memref_reshape %arg4 : memref<8192x4x1024xf32, #tpu.memory_space<hbm>> -> memref<32768x1024xf32, #tpu.memory_space<hbm>>
    %dma_wait3A_69 = arith.constant 0 : i32
    %dma_wait3A_70 = tpu.memref_slice %dma_wait3A_68[%mul3A_2, %dma_wait3A_69] : memref<32768x1024xf32, #tpu.memory_space<hbm>> -> memref<16x1024xf32, #tpu.memory_space<hbm>>
    %dma_wait3A_71 = arith.constant 0 : i32
    %dma_wait3A_72 = arith.constant 0 : i32
    %dma_wait3A_73 = tpu.memref_slice %arg6[%dma_wait3A, %dma_wait3A_71, %dma_wait3A_72] : memref<4x16x1024xf32, #tpu.memory_space<vmem>> -> memref<1x16x1024xf32, #tpu.memory_space<vmem>>
    %dma_wait3A_74 = tpu.memref_squeeze %dma_wait3A_73 : memref<1x16x1024xf32, #tpu.memory_space<vmem>> -> memref<16x1024xf32, #tpu.memory_space<vmem>>
    tpu.wait_dma2 semaphore(%dma_wait3A_67 : memref<!tpu.dma_semaphore, #tpu.memory_space<semaphore_mem>>) src(%dma_wait3A_74 : memref<16x1024xf32, #tpu.memory_space<vmem>>) dst(%dma_wait3A_70 : memref<16x1024xf32, #tpu.memory_space<hbm>>)
    %dma_wait3A_75 = arith.constant 1 : i32
    %dma_wait3A_76 = arith.constant 1 : i32
    %dma_wait3A_77 = arith.constant 0 : i32
    %dma_wait3A_78 = arith.constant 0 : i32
    %dma_wait3A_79 = tpu.memref_slice %arg6[%dma_wait3A_75, %dma_wait3A_77, %dma_wait3A_78] : memref<4x16x1024xf32, #tpu.memory_space<vmem>> -> memref<1x16x1024xf32, #tpu.memory_space<vmem>>
    %dma_wait3A_80 = tpu.memref_squeeze %dma_wait3A_79 : memref<1x16x1024xf32, #tpu.memory_space<vmem>> -> memref<16x1024xf32, #tpu.memory_space<vmem>>
    %dma_wait3A_81 = tpu.memref_reshape %arg4 : memref<8192x4x1024xf32, #tpu.memory_space<hbm>> -> memref<32768x1024xf32, #tpu.memory_space<hbm>>
    %dma_wait3A_82 = arith.constant 0 : i32
    %dma_wait3A_83 = tpu.memref_slice %dma_wait3A_81[%mul3A_2, %dma_wait3A_82] : memref<32768x1024xf32, #tpu.memory_space<hbm>> -> memref<16x1024xf32, #tpu.memory_space<hbm>>
    %dma_wait3A_84 = tpu.memref_slice %arg8[%dma_wait3A_76] : memref<4x!tpu.dma_semaphore, #tpu.memory_space<semaphore_mem>> -> memref<1x!tpu.dma_semaphore, #tpu.memory_space<semaphore_mem>>
    %dma_wait3A_85 = tpu.memref_squeeze %dma_wait3A_84 : memref<1x!tpu.dma_semaphore, #tpu.memory_space<semaphore_mem>> -> memref<!tpu.dma_semaphore, #tpu.memory_space<semaphore_mem>>
    %dma_wait3A_86 = tpu.memref_reshape %arg4 : memref<8192x4x1024xf32, #tpu.memory_space<hbm>> -> memref<32768x1024xf32, #tpu.memory_space<hbm>>
    %dma_wait3A_87 = arith.constant 0 : i32
    %dma_wait3A_88 = tpu.memref_slice %dma_wait3A_86[%mul3A_2, %dma_wait3A_87] : memref<32768x1024xf32, #tpu.memory_space<hbm>> -> memref<16x1024xf32, #tpu.memory_space<hbm>>
    %dma_wait3A_89 = arith.constant 0 : i32
    %dma_wait3A_90 = arith.constant 0 : i32
    %dma_wait3A_91 = tpu.memref_slice %arg6[%dma_wait3A_75, %dma_wait3A_89, %dma_wait3A_90] : memref<4x16x1024xf32, #tpu.memory_space<vmem>> -> memref<1x16x1024xf32, #tpu.memory_space<vmem>>
    %dma_wait3A_92 = tpu.memref_squeeze %dma_wait3A_91 : memref<1x16x1024xf32, #tpu.memory_space<vmem>> -> memref<16x1024xf32, #tpu.memory_space<vmem>>
    tpu.wait_dma2 semaphore(%dma_wait3A_85 : memref<!tpu.dma_semaphore, #tpu.memory_space<semaphore_mem>>) src(%dma_wait3A_92 : memref<16x1024xf32, #tpu.memory_space<vmem>>) dst(%dma_wait3A_88 : memref<16x1024xf32, #tpu.memory_space<hbm>>)
    %dma_wait3A_93 = arith.constant 2 : i32
    %dma_wait3A_94 = arith.constant 2 : i32
    %dma_wait3A_95 = arith.constant 0 : i32
    %dma_wait3A_96 = arith.constant 0 : i32
    %dma_wait3A_97 = tpu.memref_slice %arg6[%dma_wait3A_93, %dma_wait3A_95, %dma_wait3A_96] : memref<4x16x1024xf32, #tpu.memory_space<vmem>> -> memref<1x16x1024xf32, #tpu.memory_space<vmem>>
    %dma_wait3A_98 = tpu.memref_squeeze %dma_wait3A_97 : memref<1x16x1024xf32, #tpu.memory_space<vmem>> -> memref<16x1024xf32, #tpu.memory_space<vmem>>
    %dma_wait3A_99 = tpu.memref_reshape %arg4 : memref<8192x4x1024xf32, #tpu.memory_space<hbm>> -> memref<32768x1024xf32, #tpu.memory_space<hbm>>
    %dma_wait3A_100 = arith.constant 0 : i32
    %dma_wait3A_101 = tpu.memref_slice %dma_wait3A_99[%mul3A_2, %dma_wait3A_100] : memref<32768x1024xf32, #tpu.memory_space<hbm>> -> memref<16x1024xf32, #tpu.memory_space<hbm>>
    %dma_wait3A_102 = tpu.memref_slice %arg8[%dma_wait3A_94] : memref<4x!tpu.dma_semaphore, #tpu.memory_space<semaphore_mem>> -> memref<1x!tpu.dma_semaphore, #tpu.memory_space<semaphore_mem>>
    %dma_wait3A_103 = tpu.memref_squeeze %dma_wait3A_102 : memref<1x!tpu.dma_semaphore, #tpu.memory_space<semaphore_mem>> -> memref<!tpu.dma_semaphore, #tpu.memory_space<semaphore_mem>>
    %dma_wait3A_104 = tpu.memref_reshape %arg4 : memref<8192x4x1024xf32, #tpu.memory_space<hbm>> -> memref<32768x1024xf32, #tpu.memory_space<hbm>>
    %dma_wait3A_105 = arith.constant 0 : i32
    %dma_wait3A_106 = tpu.memref_slice %dma_wait3A_104[%mul3A_2, %dma_wait3A_105] : memref<32768x1024xf32, #tpu.memory_space<hbm>> -> memref<16x1024xf32, #tpu.memory_space<hbm>>
    %dma_wait3A_107 = arith.constant 0 : i32
    %dma_wait3A_108 = arith.constant 0 : i32
    %dma_wait3A_109 = tpu.memref_slice %arg6[%dma_wait3A_93, %dma_wait3A_107, %dma_wait3A_108] : memref<4x16x1024xf32, #tpu.memory_space<vmem>> -> memref<1x16x1024xf32, #tpu.memory_space<vmem>>
    %dma_wait3A_110 = tpu.memref_squeeze %dma_wait3A_109 : memref<1x16x1024xf32, #tpu.memory_space<vmem>> -> memref<16x1024xf32, #tpu.memory_space<vmem>>
    tpu.wait_dma2 semaphore(%dma_wait3A_103 : memref<!tpu.dma_semaphore, #tpu.memory_space<semaphore_mem>>) src(%dma_wait3A_110 : memref<16x1024xf32, #tpu.memory_space<vmem>>) dst(%dma_wait3A_106 : memref<16x1024xf32, #tpu.memory_space<hbm>>)
    %dma_wait3A_111 = arith.constant 3 : i32
    %dma_wait3A_112 = arith.constant 3 : i32
    %dma_wait3A_113 = arith.constant 0 : i32
    %dma_wait3A_114 = arith.constant 0 : i32
    %dma_wait3A_115 = tpu.memref_slice %arg6[%dma_wait3A_111, %dma_wait3A_113, %dma_wait3A_114] : memref<4x16x1024xf32, #tpu.memory_space<vmem>> -> memref<1x16x1024xf32, #tpu.memory_space<vmem>>
    %dma_wait3A_116 = tpu.memref_squeeze %dma_wait3A_115 : memref<1x16x1024xf32, #tpu.memory_space<vmem>> -> memref<16x1024xf32, #tpu.memory_space<vmem>>
    %dma_wait3A_117 = tpu.memref_reshape %arg4 : memref<8192x4x1024xf32, #tpu.memory_space<hbm>> -> memref<32768x1024xf32, #tpu.memory_space<hbm>>
    %dma_wait3A_118 = arith.constant 0 : i32
    %dma_wait3A_119 = tpu.memref_slice %dma_wait3A_117[%mul3A_2, %dma_wait3A_118] : memref<32768x1024xf32, #tpu.memory_space<hbm>> -> memref<16x1024xf32, #tpu.memory_space<hbm>>
    %dma_wait3A_120 = tpu.memref_slice %arg8[%dma_wait3A_112] : memref<4x!tpu.dma_semaphore, #tpu.memory_space<semaphore_mem>> -> memref<1x!tpu.dma_semaphore, #tpu.memory_space<semaphore_mem>>
    %dma_wait3A_121 = tpu.memref_squeeze %dma_wait3A_120 : memref<1x!tpu.dma_semaphore, #tpu.memory_space<semaphore_mem>> -> memref<!tpu.dma_semaphore, #tpu.memory_space<semaphore_mem>>
    %dma_wait3A_122 = tpu.memref_reshape %arg4 : memref<8192x4x1024xf32, #tpu.memory_space<hbm>> -> memref<32768x1024xf32, #tpu.memory_space<hbm>>
    %dma_wait3A_123 = arith.constant 0 : i32
    %dma_wait3A_124 = tpu.memref_slice %dma_wait3A_122[%mul3A_2, %dma_wait3A_123] : memref<32768x1024xf32, #tpu.memory_space<hbm>> -> memref<16x1024xf32, #tpu.memory_space<hbm>>
    %dma_wait3A_125 = arith.constant 0 : i32
    %dma_wait3A_126 = arith.constant 0 : i32
    %dma_wait3A_127 = tpu.memref_slice %arg6[%dma_wait3A_111, %dma_wait3A_125, %dma_wait3A_126] : memref<4x16x1024xf32, #tpu.memory_space<vmem>> -> memref<1x16x1024xf32, #tpu.memory_space<vmem>>
    %dma_wait3A_128 = tpu.memref_squeeze %dma_wait3A_127 : memref<1x16x1024xf32, #tpu.memory_space<vmem>> -> memref<16x1024xf32, #tpu.memory_space<vmem>>
    tpu.wait_dma2 semaphore(%dma_wait3A_121 : memref<!tpu.dma_semaphore, #tpu.memory_space<semaphore_mem>>) src(%dma_wait3A_128 : memref<16x1024xf32, #tpu.memory_space<vmem>>) dst(%dma_wait3A_124 : memref<16x1024xf32, #tpu.memory_space<hbm>>)
    return
  }
}

</mosaic_0001>

<sc_bundles>
// kernel: _lookup.3.cloned.1.call-start
scs
__scs_entry_jumppad:
0x0: {  	(pc) =	sbr.rel $0x88, $3  }
0x1: {  	(tag) =	ssettag $0x0;
	lr =	simm.s32 $0x1  }
0x2: {  	[smem:$0x3F9F] =	sst lr;
	_ =	strace $0xD0000000  }
0x3: {  	_ = 	snop  }
0x4: {  	_ = 	snop  }
0x5: {  	_ = 	snop  }
0x6: {  	_ = 	snop  }
0x7: {  	_ = 	snop  }
__scs_overlays_trampoline_lowered:
0x8: {  	[smem:$0x3FAE] =	sst s0  }
0x9: {  	[smem:$0x3FAF] =	sst s1  }
0xa: {  	[smem:$0x3FB0] =	sst s2  }
0xb: {  	[smem:$0x3FB1] =	sst s3  }
0xc: {  	[smem:$0x3FB2] =	sst s4  }
0xd: {  	[smem:$0x3FB3] =	sst s5  }
0xe: {  	[smem:$0x3FB4] =	sst s6  }
0xf: {  	[smem:$0x3FB5] =	sst s7  }
0x10: {  	[smem:$0x3FB6] =	sst s8  }
0x11: {  	[smem:$0x3FB7] =	sst s9;
	s0 =	simm.s32 @!p0 $0x0  }
0x12: {  	s1 =	sld [smem:$0x3F9D];
	s0 =	simm.s32 @p0 $0x1  }
0x13: {  	[smem:$0x3FB8] =	sst s0;
	s0 =	simm.s32 @!p1 $0x0  }
0x14: {  	s2 =	sld [smem:$0x3F9C];
	s0 =	simm.s32 @p1 $0x1  }
0x15: {  	[smem:$0x3FB9] =	sst s0;
	s0 =	simm.s32 @!p2 $0x0  }
0x16: {  	s3 =	sld [smem:$0x3FDB];
	s0 =	simm.s32 @p2 $0x1  }
0x17: {  	s4 =	simm.s32 $0x1BF5;
	[smem:$0x3FBB] =	sst s0  }
0x18: {  	s0 =	sld [smem:$0x3F9E];
	_ =	swait.ge [sflag:s4], $0x0  }
0x19: {  	s7 =	sld [smem:$0x3F9F]  }
0x1a: {  	s8 =	sadd.s32 $0xFFFFE003, lr  }
0x1b: {  	s9 =	sadd.s32 $0xFFFFFEF7, lr;
	s5 =	simm.s32 $0xFFFFFFFF;
	p2 =	slt.u32 s8, $0xFFFFF086  }
0x1c: {  	p1 =	slt.u32 s9, $0xF7A;
	s5 =	simm.s32 @!p2 $0x0  }
0x1d: {  	s5 =	simm.s32 @p1 $0x1;
	p0 =	seq.s32 s7, s2  }
0x1e: {  	s7 =	smul.u32 @!p0 $0xF7A, s2;
	p2 =	seq.s32 @!p0 s5, $0x0  }
0x1f: {  	s9 =	smul.u32 $0xF7A, s1;
	s8 =	simm.s32 @!p0 $0x1BF5;
	p2 =	por !p2, p0  }
0x20: {  	[sflag:s8] =	ssyncset.s32 @!p0 $0xFFFFF086;
	s6 =	sadd.s32 @!p0 s3, s7;
	s7 =	simm.s32 @!p0 $0x108  }
0x21: {  	s3 =	sadd.s32 s3, s9;
	s6 =	sadd.s32 @!p0 $0x88, s6;
	s7 =	simm.s32 @p2 $0x1082  }
0x22: {  	[simem:s7], [sflag:s8] =	dma.local @!p0 [hbm:s6], $0xF7A  }
0x23: {  	s9 =	sor.u32 $0xD0000000, s2;
	s6 =	simm.s32 $0x108;
	_ =	swait.ge @!p0 [sflag:s8], $0x0  }
0x24: {  	s3 =	sadd.s32 $0x88, s3;
	s6 =	simm.s32 @!p1 $0x1082;
	[sflag:s4] =	ssyncset.s32 $0xFFFFF086  }
0x25: {  	[simem:s6], [sflag:s4] =	dma.local [hbm:s3], $0xF7A  }
0x26: {  	[smem:$0x3F9F] =	sst s1;
	(tag) =	ssettag s2;
	_ =	strace s9  }
0x27: {  	s1 =	sld [smem:$0x3FAF]  }
0x28: {  	s2 =	sld [smem:$0x3FB0]  }
0x29: {  	s4 =	sld [smem:$0x3FB2]  }
0x2a: {  	p0 =	seq.s32 s5, $0x0;
	s5 =	sld [smem:$0x3FB3]  }
0x2b: {  	s6 =	sld [smem:$0x3FB4]  }
0x2c: {  	s7 =	sld [smem:$0x3FB5]  }
0x2d: {  	s3 =	simm.s32 $0x108;
	s8 =	sld [smem:$0x3FB6]  }
0x2e: {  	s3 =	simm.s32 @!p0 $0x1082;
	s9 =	sld [smem:$0x3FB7]  }
0x2f: {  	lr =	sadd.s32 s0, s3;
	s0 =	sld [smem:$0x3FAE]  }
0x30: {  	s3 =	sld [smem:$0x3FB1]  }
0x31: {  	[smem:$0x3FBA] =	sst s10  }
0x32: {  	s10 =	sld [smem:$0x3FB8];
	_ =	sdelay $0x3  }
0x33: {  	p0 =	seq.s32 s10, $0x1;
	s10 =	sld [smem:$0x3FBA];
	_ =	sdelay $0x3  }
0x34: {  	[smem:$0x3FBA] =	sst s10  }
0x35: {  	s10 =	sld [smem:$0x3FB9];
	_ =	sdelay $0x3  }
0x36: {  	p1 =	seq.s32 s10, $0x1;
	s10 =	sld [smem:$0x3FBA];
	_ =	sdelay $0x3  }
0x37: {  	[smem:$0x3FBA] =	sst s10  }
0x38: {  	s10 =	sld [smem:$0x3FBB]  }
0x39: {  	_ = 	snop;
	(pc) =	sbr.ind lr, $3  }
0x3a: {  	_ = 	snop  }
0x3b: {  	_ = 	snop  }
0x3c: {  	p2 =	seq.s32 s10, $0x1;
	s10 =	sld [smem:$0x3FBA]  }
0x3d: {  	_ =	shalt  }
0x3e: {  	_ =	shalt  }
0x3f: {  	_ =	shalt  }
0x40: {  	_ =	shalt  }
0x41: {  	_ =	shalt  }
0x42: {  	_ =	shalt  }
0x43: {  	_ =	shalt  }
0x44: {  	_ =	shalt  }
0x45: {  	_ =	shalt  }
0x46: {  	_ =	shalt  }
0x47: {  	_ =	shalt  }
0x48: {  	_ =	shalt  }
0x49: {  	_ =	shalt  }
0x4a: {  	_ =	shalt  }
0x4b: {  	_ =	shalt  }
0x4c: {  	_ =	shalt  }
0x4d: {  	_ =	shalt  }
0x4e: {  	_ =	shalt  }
0x4f: {  	_ =	shalt  }
0x50: {  	_ =	shalt  }
0x51: {  	_ =	shalt  }
0x52: {  	_ =	shalt  }
0x53: {  	_ =	shalt  }
0x54: {  	_ =	shalt  }
0x55: {  	_ =	shalt  }
0x56: {  	_ =	shalt  }
0x57: {  	_ =	shalt  }
0x58: {  	_ =	shalt  }
0x59: {  	_ =	shalt  }
0x5a: {  	_ =	shalt  }
0x5b: {  	_ =	shalt  }
0x5c: {  	_ =	shalt  }
0x5d: {  	_ =	shalt  }
0x5e: {  	_ =	shalt  }
0x5f: {  	_ =	shalt  }
0x60: {  	_ =	shalt  }
0x61: {  	_ =	shalt  }
0x62: {  	_ =	shalt  }
0x63: {  	_ =	shalt  }
0x64: {  	_ =	shalt  }
0x65: {  	_ =	shalt  }
0x66: {  	_ =	shalt  }
0x67: {  	_ =	shalt  }
0x68: {  	_ =	shalt  }
0x69: {  	_ =	shalt  }
0x6a: {  	_ =	shalt  }
0x6b: {  	_ =	shalt  }
0x6c: {  	_ =	shalt  }
0x6d: {  	_ =	shalt  }
0x6e: {  	_ =	shalt  }
0x6f: {  	_ =	shalt  }
0x70: {  	_ =	shalt  }
0x71: {  	_ =	shalt  }
0x72: {  	_ =	shalt  }
0x73: {  	_ =	shalt  }
0x74: {  	_ =	shalt  }
0x75: {  	_ =	shalt  }
0x76: {  	_ =	shalt  }
0x77: {  	_ =	shalt  }
0x78: {  	_ =	shalt  }
0x79: {  	_ =	shalt  }
0x7a: {  	_ =	shalt  }
0x7b: {  	_ =	shalt  }
0x7c: {  	_ =	shalt  }
0x7d: {  	_ =	shalt  }
0x7e: {  	_ =	shalt  }
0x7f: {  	_ =	shalt  }
0x80: {  	_ =	shalt  }
0x81: {  	_ =	shalt  }
0x82: {  	_ =	shalt  }
0x83: {  	_ =	shalt  }
0x84: {  	_ =	shalt  }
0x85: {  	_ =	shalt  }
0x86: {  	_ =	shalt  }
0x87: {  	_ =	shalt  }
.Lfunc_end0:
.L_simem_size_0:
called_computation_lowered:
.L_overlay_start_0:
0x88: {  	s2 =	sld [smem:$0x3FD9]  }
0x89: {  	s3 =	sld [smem:$0x3FFE];
	_ =	sdelay $0x1  }
0x8a: {  	s1 =	srdreg.scid  }
0x8b: {  	s0 =	sand.u32 $0x1, s1  }
0x8c: {  	s18 =	sshll.u32 s0, $0xA;
	s2 =	sadd.s32 s3, s2  }
0x8d: {  	s2 =	sadd.s32 s2, s18  }
0x8e: {  	[smem:$0x3FC6] =	sst s2  }
0x8f: {  	_ = 	snop  }
0x90: {  	s2 =	sld [smem:$0x3FC9]  }
0x91: {  	s19 =	sld [smem:$0x3FC8]  }
0x92: {  	s4 =	sld [smem:$0x3FD0];
	(tm) =	ssettm $0x1  }
0x93: {  	s5 =	sld [smem:$0x3FFB];
	_ =	sdelay $0x3  }
0x94: {  	_ =	strace s5  }
0x95: {  	s5 =	sld [smem:$0x3FFC];
	_ =	sdelay $0x3  }
0x96: {  	_ =	strace s5  }
0x97: {  	s5 =	sld [smem:$0x3FFD];
	_ =	sdelay $0x3  }
0x98: {  	_ =	strace s5  }
0x99: {  	_ =	strace $0x8FFFFFFF  }
0x9a: {  	s20 =	sld [smem:$0x3FDB];
	_ =	sdelay $0x1  }
0x9b: {  	s6 =	simm.s32 $_scs_section_size  }
0x9c: {  	s7 =	simm.s32 $_size__tile_overlayer_lowered;
	s8 =	simm.s32 $_tile_overlayer_lowered  }
0x9d: {  	s23 =	simm.s32 $0x1BFF;
	s22 =	sshll.u32 s8, $0x1;
	s5 =	sadd.s32 s6, s20  }
0x9e: {  	s9 =	simm.s32 $0x0;
	s21 =	sshll.u32 s7, $0x1;
	s7 =	sadd.s32 s22, s5  }
0x9f: {  	[timem:s9], [sflag:s23] =	dma.local [hbm:s7], s21  }
0xa0: {  	_ =	swait.ge [sflag:s23], s21  }
0xa1: {  	s6 =	ssub.s32 $0x0, s21;
	[sflag:s23] =	ssyncset.done $0x0  }
0xa2: {  	[sflag:s23] =	ssyncadd.s32 s6;
	_ =	sdelay $0x1  }
0xa3: {  	s24 =	simm.s32 $0x1B8B  }
0xa4: {  	_ =	swait.ge [sflag:s24], $0x1  }
0xa5: {  	[sflag:s24] =	ssyncset.done $0x0  }
0xa6: {  	s25 =	simm.s32 $0x1B8E;
	[sflag:s24] =	ssyncadd.s32 $0xFFFFFFFF  }
0xa7: {  	s26 =	simm.s32 $execute0_lowered;
	[smem:$0x3FD2] =	sst s25  }
0xa8: {  	s6 =	sshll.u32 s26, $0x1;
	_ =	strace $0x80000046;
	[dreg:$0x1] =	wrdreg $0xFFFFFFFF  }
0xa9: {  	s28 =	simm.s32 $_size_execute0_lowered;
	s5 =	sadd.s32 s5, s6;
	[dreg:$0x0] =	wrdreg $0x0  }
0xaa: {  	s6 =	sshll.u32 s28, $0x1;
	[dreg:$0x2] =	wrdreg s5  }
0xab: {  	[dreg:$0x3] =	wrdreg s6  }
0xac: {  	[dreg:$0x4] =	wrdreg $0xC0  }
0xad: {  	_ =	task [dreg:s9], $0x5FFFF  }
0xae: {  	[dreg:$0x1] =	wrdreg $0xFFFFFFFF  }
0xaf: {  	[dreg:$0x0] =	wrdreg $0x60  }
0xb0: {  	[dreg:$0x2] =	wrdreg s2  }
0xb1: {  	[dreg:$0x3] =	wrdreg s19  }
0xb2: {  	[dreg:$0x4] =	wrdreg s4  }
0xb3: {  	[dreg:$0x5] =	wrdreg $0x9  }
0xb4: {  	_ =	task.clear_ibuf [dreg:s9], $0x6FFFF;
	_ =	strace $0x90000046  }
0xb5: {  	s29 =	simm.s32 $0x9;
	_ =	strace $0x80000048  }
0xb6: {  	_ =	swait.ge [sflag:s29], $0x1  }
0xb7: {  	[sflag:s29] =	ssyncadd.s32 $0xFFFFFFFF  }
0xb8: {  	_ =	strace $0x90000048  }
0xb9: {  	_ =	sfence  }
0xba: {  	s30 =	sld [smem:$0x0];
	_ =	sdelay $0x2  }
0xbb: {  	s31 =	sshll.u32 s1, $0xD;
	s1 =	sshrl.u32 s1, $0x2  }
0xbc: {  	s3 =	sand.u32 $0x4000, s31;
	s1 =	sadd.s32 s1, s30  }
0xbd: {  	s0 =	sor.u32 s3, s0;
	s1 =	sshll.u32 s1, $0x11  }
0xbe: {  	s0 =	sor.u32 s1, s0  }
0xbf: {  	s0 =	sadd.s32 $0x8F2B, s0  }
0xc0: {  	[sflag:s0] =	ssyncadd.remote.s32 $0x1  }
0xc1: {  	_ =	sfence.sel $0xFFFF  }
0xc2: {  	[dreg:$0x0] =	wrdreg $0xFFFFFFFF;
	(pc) =	sbr.abs _section_cstart, $3  }
0xc3: {  	[dreg:$0x1] =	wrdreg $0xFFFFFFFF  }
0xc4: {  	_ =	task.clear_ibuf [dreg:s9], $0x2FFFF;
	_ =	strace $0x9FFFFFFF  }
0xc5: {  	(tm) =	ssettm $0x7FFFFFFF  }
tec
execute0_lowered:
.L_overlay_start_1:
0x0: {  	(tag) =	ssettag $0x1  }
0x1: {  	s0 =	rddreg [dreg:$0x0]  }
0x2: {  	s1 =	rddreg [dreg:$0x1]  }
0x3: {  	s2 =	rddreg [dreg:$0x2];
	s4 =	srdreg.scid;
	s3 =	simm.s32 $0x0  }
0x4: {  	s9 =	stileid.u32;
	s31 =	simm.s32 $0x400;
	s10 =	simm.s32 $0x3400  }
0x5: {  	s11 =	simm.s32 $0x3C00;
	s12 =	simm.s32 $0x4400;
	s13 =	simm.s32 $0x4C00  }
0x6: {  	s14 =	simm.s32 $0x5400;
	s15 =	simm.s32 $0x5C00;
	s16 =	simm.s32 $0x6400  }
0x7: {  	s17 =	simm.s32 $0x6C00;
	s20 =	simm.s32 $0x7400;
	s29 =	simm.s32 $0x7C00  }
0x8: {  	s30 =	simm.s32 $0x8400;
	s18 =	simm.s32 $0x200;
	s19 =	simm.s32 $0x1000  }
0x9: {  	s21 =	simm.s32 $0x3;
	s22 =	simm.s32 $0x4;
	s23 =	simm.s32 $0x5  }
0xa: {  	s4 =	sand.u32 $0x1, s4;
	s6 =	sshll.u32 s9, $0xB;
	[smem:$0x7FF] =	sst s3  }
0xb: {  	s25 =	sshll.u32 s9, $0x12;
	s9 =	simm.s32 $0x2C00;
	s5 =	ssub.s32 $0x2, s4  }
0xc: {  	s7 =	sshll.u32 s4, $0xA;
	_ =	strace $0x80000047;
	s26 =	sshll.u32 s4, $0x11  }
0xd: {  	s4 =	simm.s32 $0x1C00;
	s8 =	sshrl.u32 s5, $0x1;
	s6 =	sor.u32 s7, s6  }
0xe: {  	s7 =	sadd.s32 $0x300, s1;
	s8 =	ssub.s32 s5, s8;
	s24 =	sshrl.u32 s6, $0x3  }
0xf: {  	s5 =	sadd.s32 $0x100, s1;
	s6 =	sadd.s32 $0x200, s1;
	s0 =	sadd.s32 s0, s24  }
.Ltmp0:
0x10: {  	s28 =	smax.u32 s8, $0x1;
	s8 =	simm.s32 $0x2400;
	(pc) =	sbr.rel .LBB2_1-.Ltmp0, $4  }
0x11: {  	s24 =	simm.s32 $0x6;
	[dreg:$0x4] =	wrdreg s0;
	s0 =	sadd.s32 s25, s2  }
0x12: {  	v2 =	vlaneseq.u32;
	[dreg:$0x5] =	wrdreg s28;
	s2 =	simm.s32 $0x1400;
	s28 =	simm.s32 $0x0  }
0x13: {  	vm0 =	vmmov $0xffff;
	v1 =	vshrl.u32 v2, $0x3;
	s25 =	simm.s32 $0x7;
	s0 =	sadd.s32 s26, s0;
	[dreg:$0x7] =	wrdreg s28  }
0x14: {  	v0 =	vand.u32 $0x7, v2;
	v2 =	vor.u32 $0x8, v2;
	v1 =	vmul.u32 $0x8, v1;
	s26 =	simm.s32 $0x8;
	[dreg:$0x6] =	wrdreg s0;
	s0 =	simm.s32 $0xC00  }
.LBB2_4:
0x15: {  	_ =	swait.ge [sflag:s23], $0x4000  }
0x16: {  	[sflag:s23] =	ssyncset.done $0x0  }
0x17: {  	[sflag:s23] =	ssyncadd.s32 $0xFFFFC000  }
0x18: {  	_ =	swait.ge [sflag:s24], $0x4000  }
0x19: {  	[sflag:s24] =	ssyncset.done $0x0  }
0x1a: {  	[sflag:s24] =	ssyncadd.s32 $0xFFFFC000  }
0x1b: {  	_ =	swait.ge [sflag:s25], $0x4000  }
0x1c: {  	[sflag:s25] =	ssyncset.done $0x0  }
0x1d: {  	[sflag:s25] =	ssyncadd.s32 $0xFFFFC000  }
0x1e: {  	s31 =	simm.s32 $0x400;
	_ =	swait.ge [sflag:s26], $0x4000  }
0x1f: {  	s2 =	simm.s32 $0x1400;
	s4 =	simm.s32 $0x1C00;
	s0 =	rddreg [dreg:$0x7]  }
0x20: {  	s8 =	simm.s32 $0x2400;
	s28 =	rddreg [dreg:$0x5];
	s0 =	sadd.s32 $0x1, s0  }
0x21: {  	s9 =	simm.s32 $0x2C00;
	s10 =	simm.s32 $0x3400;
	p0 =	sne.s32 s0, s28  }
.Ltmp1:
0x22: {  	s11 =	simm.s32 $0x3C00;
	s12 =	simm.s32 $0x4400;
	(pc) =	sbr.rel @!p0 .LBB2_5-.Ltmp1, $4  }
0x23: {  	s13 =	simm.s32 $0x4C00;
	s14 =	simm.s32 $0x5400;
	s15 =	simm.s32 $0x5C00  }
0x24: {  	s16 =	simm.s32 $0x6400;
	s17 =	simm.s32 $0x6C00;
	s20 =	simm.s32 $0x7400  }
0x25: {  	s29 =	simm.s32 $0x7C00;
	s30 =	simm.s32 $0x8400;
	[sflag:s26] =	ssyncset.done $0x0  }
0x26: {  	[sflag:s26] =	ssyncadd.s32 $0xFFFFC000;
	[dreg:$0x7] =	wrdreg s0;
	s0 =	simm.s32 $0xC00  }
.LBB2_1:
0x27: {  	s28 =	rddreg [dreg:$0x4]  }
0x28: {  	[tilespmem:s3], [sflag:$0x9] =	stream.linear.gather [hbm4b:s28+s3], $0x400, $0x38;
	[tilespmem:$0x10400] =	vst v63  }
0x29: {  	s28 =	simm.s32 $0x9  }
0x2a: {  	_ =	swait.ge [sflag:s28], $0x400  }
0x2b: {  	[sflag:s28] =	ssyncset.done $0x0  }
0x2c: {  	[sflag:s28] =	ssyncadd.s32 $0xFFFFFC00  }
0x2d: {  	v3 =	vld [tilespmem:$0x0];
	_ =	sdelay $0x4  }
0x2e: {  	v4 =	vshll.u32 v3, $0x3  }
0x2f: {  	v3 =	vand.u32 $0x7, v3;
	v4 =	vand.u32 $0xFFFFFFC0, v4  }
0x30: {  	v3 =	vor.u32 v3, v4  }
0x31: {  	v4 =	vperm.xlane v3, v0;
	_ =	sdelay $0x1  }
0x32: {  	v4 =	vadd.s32 v1, v4;
	_ =	sdelay $0x4  }
0x33: {  	[tilespmem:s31], [sflag:$0x1] =	stream.indirect_vreg.gather [hbm4b:s1+s3], $0x80, v4, vm0, $0xb8;
	[tilespmem:$0x10400] =	vst v63  }
0x34: {  	v3 =	vperm.xlane v3, v2  }
0x35: {  	[tilespmem:s0], [sflag:$0x1] =	stream.indirect_vreg.gather [hbm4b:s5+s3], $0x80, v4, vm0, $0xb8;
	[tilespmem:$0x10400] =	vst v63  }
0x36: {  	v3 =	vadd.s32 v1, v3  }
0x37: {  	[tilespmem:s2], [sflag:$0x1] =	stream.indirect_vreg.gather [hbm4b:s6+s3], $0x80, v4, vm0, $0xb8;
	[tilespmem:$0x10400] =	vst v63  }
0x38: {  	_ = 	snop  }
0x39: {  	[tilespmem:s4], [sflag:$0x1] =	stream.indirect_vreg.gather [hbm4b:s7+s3], $0x80, v4, vm0, $0xb8;
	[tilespmem:$0x10400] =	vst v63  }
0x3a: {  	_ = 	snop  }
0x3b: {  	[tilespmem:s8], [sflag:$0x1] =	stream.indirect_vreg.gather [hbm4b:s1+s3], $0x80, v3, vm0, $0xb8;
	[tilespmem:$0x10400] =	vst v63  }
0x3c: {  	_ = 	snop  }
0x3d: {  	[tilespmem:s9], [sflag:$0x1] =	stream.indirect_vreg.gather [hbm4b:s5+s3], $0x80, v3, vm0, $0xb8;
	[tilespmem:$0x10400] =	vst v63  }
0x3e: {  	_ = 	snop  }
0x3f: {  	[tilespmem:s10], [sflag:$0x1] =	stream.indirect_vreg.gather [hbm4b:s6+s3], $0x80, v3, vm0, $0xb8;
	[tilespmem:$0x10400] =	vst v63  }
0x40: {  	_ = 	snop  }
0x41: {  	[tilespmem:s11], [sflag:$0x1] =	stream.indirect_vreg.gather [hbm4b:s7+s3], $0x80, v3, vm0, $0xb8;
	[tilespmem:$0x10400] =	vst v63  }
0x42: {  	v3 =	vld [tilespmem:$0x10];
	_ =	sdelay $0x4  }
0x43: {  	v61 =	vshll.u32 v3, $0x3  }
0x44: {  	v3 =	vand.u32 $0x7, v3;
	v4 =	vand.u32 $0xFFFFFFC0, v61  }
0x45: {  	v3 =	vor.u32 v3, v4  }
0x46: {  	v4 =	vperm.xlane v3, v0;
	_ =	sdelay $0x1  }
0x47: {  	v4 =	vadd.s32 v1, v4;
	_ =	sdelay $0x4  }
0x48: {  	[tilespmem:s12], [sflag:$0x2] =	stream.indirect_vreg.gather [hbm4b:s1+s3], $0x80, v4, vm0, $0xb8;
	[tilespmem:$0x10400] =	vst v63  }
0x49: {  	v3 =	vperm.xlane v3, v2  }
0x4a: {  	[tilespmem:s13], [sflag:$0x2] =	stream.indirect_vreg.gather [hbm4b:s5+s3], $0x80, v4, vm0, $0xb8;
	[tilespmem:$0x10400] =	vst v63  }
0x4b: {  	v3 =	vadd.s32 v1, v3  }
0x4c: {  	[tilespmem:s14], [sflag:$0x2] =	stream.indirect_vreg.gather [hbm4b:s6+s3], $0x80, v4, vm0, $0xb8;
	[tilespmem:$0x10400] =	vst v63  }
0x4d: {  	_ = 	snop  }
0x4e: {  	[tilespmem:s15], [sflag:$0x2] =	stream.indirect_vreg.gather [hbm4b:s7+s3], $0x80, v4, vm0, $0xb8;
	[tilespmem:$0x10400] =	vst v63  }
0x4f: {  	_ = 	snop  }
0x50: {  	[tilespmem:s16], [sflag:$0x2] =	stream.indirect_vreg.gather [hbm4b:s1+s3], $0x80, v3, vm0, $0xb8;
	[tilespmem:$0x10400] =	vst v63  }
0x51: {  	_ = 	snop  }
0x52: {  	[tilespmem:s17], [sflag:$0x2] =	stream.indirect_vreg.gather [hbm4b:s5+s3], $0x80, v3, vm0, $0xb8;
	[tilespmem:$0x10400] =	vst v63  }
0x53: {  	_ = 	snop  }
0x54: {  	[tilespmem:s20], [sflag:$0x2] =	stream.indirect_vreg.gather [hbm4b:s6+s3], $0x80, v3, vm0, $0xb8;
	[tilespmem:$0x10400] =	vst v63  }
0x55: {  	_ = 	snop  }
0x56: {  	[tilespmem:s29], [sflag:$0x2] =	stream.indirect_vreg.gather [hbm4b:s7+s3], $0x80, v3, vm0, $0xb8;
	[tilespmem:$0x10400] =	vst v63  }
0x57: {  	v3 =	vld [tilespmem:$0x20];
	_ =	sdelay $0x4  }
0x58: {  	v62 =	vshll.u32 v3, $0x3  }
0x59: {  	v3 =	vand.u32 $0x7, v3;
	v4 =	vand.u32 $0xFFFFFFC0, v62  }
0x5a: {  	v3 =	vor.u32 v3, v4  }
0x5b: {  	v4 =	vperm.xlane v3, v0;
	_ =	sdelay $0x1  }
0x5c: {  	v4 =	vadd.s32 v1, v4;
	_ =	sdelay $0x4  }
0x5d: {  	[tilespmem:s30], [sflag:$0x3] =	stream.indirect_vreg.gather [hbm4b:s1+s3], $0x80, v4, vm0, $0xb8;
	[tilespmem:$0x10400] =	vst v63  }
0x5e: {  	s2 =	simm.s32 $0x8C00;
	v3 =	vperm.xlane v3, v2  }
0x5f: {  	[tilespmem:s2], [sflag:$0x3] =	stream.indirect_vreg.gather [hbm4b:s5+s3], $0x80, v4, vm0, $0xb8;
	[tilespmem:$0x10400] =	vst v63  }
0x60: {  	s4 =	simm.s32 $0x9400;
	v3 =	vadd.s32 v1, v3  }
0x61: {  	[tilespmem:s4], [sflag:$0x3] =	stream.indirect_vreg.gather [hbm4b:s6+s3], $0x80, v4, vm0, $0xb8;
	[tilespmem:$0x10400] =	vst v63  }
0x62: {  	s8 =	simm.s32 $0x9C00  }
0x63: {  	[tilespmem:s8], [sflag:$0x3] =	stream.indirect_vreg.gather [hbm4b:s7+s3], $0x80, v4, vm0, $0xb8;
	[tilespmem:$0x10400] =	vst v63  }
0x64: {  	s9 =	simm.s32 $0xA400  }
0x65: {  	[tilespmem:s9], [sflag:$0x3] =	stream.indirect_vreg.gather [hbm4b:s1+s3], $0x80, v3, vm0, $0xb8;
	[tilespmem:$0x10400] =	vst v63  }
0x66: {  	s10 =	simm.s32 $0xAC00  }
0x67: {  	[tilespmem:s10], [sflag:$0x3] =	stream.indirect_vreg.gather [hbm4b:s5+s3], $0x80, v3, vm0, $0xb8;
	[tilespmem:$0x10400] =	vst v63  }
0x68: {  	s11 =	simm.s32 $0xB400  }
0x69: {  	[tilespmem:s11], [sflag:$0x3] =	stream.indirect_vreg.gather [hbm4b:s6+s3], $0x80, v3, vm0, $0xb8;
	[tilespmem:$0x10400] =	vst v63  }
0x6a: {  	s12 =	simm.s32 $0xBC00  }
0x6b: {  	[tilespmem:s12], [sflag:$0x3] =	stream.indirect_vreg.gather [hbm4b:s7+s3], $0x80, v3, vm0, $0xb8;
	[tilespmem:$0x10400] =	vst v63  }
0x6c: {  	v3 =	vld [tilespmem:$0x30];
	_ =	sdelay $0x4  }
0x6d: {  	v63 =	vshll.u32 v3, $0x3  }
0x6e: {  	v3 =	vand.u32 $0x7, v3;
	v4 =	vand.u32 $0xFFFFFFC0, v63  }
0x6f: {  	v3 =	vor.u32 v3, v4  }
0x70: {  	v4 =	vperm.xlane v3, v0;
	_ =	sdelay $0x1  }
0x71: {  	v4 =	vadd.s32 v1, v4;
	_ =	sdelay $0x3  }
0x72: {  	s13 =	simm.s32 $0xC400  }
0x73: {  	[tilespmem:s13], [sflag:$0x4] =	stream.indirect_vreg.gather [hbm4b:s1+s3], $0x80, v4, vm0, $0xb8;
	[tilespmem:$0x10400] =	vst v63  }
0x74: {  	s28 =	simm.s32 $0x70;
	s14 =	simm.s32 $0xCC00;
	v3 =	vperm.xlane v3, v2  }
0x75: {  	[tilespmem:s14], [sflag:$0x4] =	stream.indirect_vreg.gather [hbm4b:s5+s3], $0x80, v4, vm0, $0xb8;
	[tilespmem:$0x10400] =	vst v63  }
0x76: {  	s15 =	simm.s32 $0xD400;
	s16 =	simm.s32 $0xDC00;
	s17 =	simm.s32 $0xE400;
	v3 =	vadd.s32 v1, v3  }
0x77: {  	[tilespmem:s15], [sflag:$0x4] =	stream.indirect_vreg.gather [hbm4b:s6+s3], $0x80, v4, vm0, $0xb8;
	[tilespmem:$0x10400] =	vst v63  }
0x78: {  	s20 =	simm.s32 $0xEC00;
	s29 =	simm.s32 $0x0;
	s30 =	simm.s32 $0xF400  }
0x79: {  	[tilespmem:s16], [sflag:$0x4] =	stream.indirect_vreg.gather [hbm4b:s7+s3], $0x80, v4, vm0, $0xb8;
	[tilespmem:$0x10400] =	vst v63  }
0x7a: {  	s2 =	simm.s32 $0xFC00;
	s4 =	simm.s32 $0x7400;
	s9 =	simm.s32 $0x2C00  }
0x7b: {  	[tilespmem:s17], [sflag:$0x4] =	stream.indirect_vreg.gather [hbm4b:s1+s3], $0x80, v3, vm0, $0xb8;
	[tilespmem:$0x10400] =	vst v63  }
0x7c: {  	s10 =	simm.s32 $0x8400;
	s11 =	simm.s32 $0x3400;
	s12 =	simm.s32 $0x3C00  }
0x7d: {  	[tilespmem:s20], [sflag:$0x4] =	stream.indirect_vreg.gather [hbm4b:s5+s3], $0x80, v3, vm0, $0xb8;
	[tilespmem:$0x10400] =	vst v63  }
0x7e: {  	s13 =	simm.s32 $0x4400;
	s14 =	simm.s32 $0x4C00;
	s15 =	simm.s32 $0x5400  }
0x7f: {  	[tilespmem:s30], [sflag:$0x4] =	stream.indirect_vreg.gather [hbm4b:s6+s3], $0x80, v3, vm0, $0xb8;
	[tilespmem:$0x10400] =	vst v63  }
0x80: {  	s16 =	simm.s32 $0x5C00;
	s17 =	simm.s32 $0x6400;
	s20 =	simm.s32 $0x6C00  }
0x81: {  	[tilespmem:s2], [sflag:$0x4] =	stream.indirect_vreg.gather [hbm4b:s7+s3], $0x80, v3, vm0, $0xb8;
	[tilespmem:$0x10400] =	vst v63  }
.LBB2_2:
0x82: {  	s0 =	simm.s32 $0x1  }
0x83: {  	_ =	swait.ge [sflag:s0], $0x4000  }
0x84: {  	[sflag:s0] =	ssyncset.done $0x0;
	s30 =	rddreg [dreg:$0x6]  }
0x85: {  	[sflag:s0] =	ssyncadd.s32 $0xFFFFC000;
	s30 =	sadd.s32 s29, s30  }
0x86: {  	[hbm4b:s30+s18] =	stream.strided.scatter [tilespmem:s31], [sflag:$0x5], $0x400, s19, s18, $0x38;
	[tilespmem:$0x10400] =	vst v63  }
0x87: {  	s8 =	simm.s32 $0x800;
	s31 =	sadd.s32 $0x40, s30  }
0x88: {  	[hbm4b:s31+s18] =	stream.strided.scatter [tilespmem:s8], [sflag:$0x5], $0x400, s19, s18, $0x38;
	[tilespmem:$0x10400] =	vst v63  }
0x89: {  	s31 =	sadd.s32 $0x80, s30;
	s8 =	simm.s32 $0xC00  }
0x8a: {  	[hbm4b:s31+s18] =	stream.strided.scatter [tilespmem:s8], [sflag:$0x5], $0x400, s19, s18, $0x38;
	[tilespmem:$0x10400] =	vst v63  }
0x8b: {  	s8 =	sadd.s32 $0xC0, s30  }
0x8c: {  	[hbm4b:s8+s18] =	stream.strided.scatter [tilespmem:s19], [sflag:$0x5], $0x400, s19, s18, $0x38;
	[tilespmem:$0x10400] =	vst v63  }
0x8d: {  	s31 =	sadd.s32 $0x100, s30;
	s8 =	simm.s32 $0x1400  }
0x8e: {  	[hbm4b:s31+s18] =	stream.strided.scatter [tilespmem:s8], [sflag:$0x5], $0x400, s19, s18, $0x38;
	[tilespmem:$0x10400] =	vst v63  }
0x8f: {  	s31 =	sadd.s32 $0x140, s30;
	s8 =	simm.s32 $0x1800  }
0x90: {  	[hbm4b:s31+s18] =	stream.strided.scatter [tilespmem:s8], [sflag:$0x5], $0x400, s19, s18, $0x38;
	[tilespmem:$0x10400] =	vst v63  }
0x91: {  	s31 =	sadd.s32 $0x180, s30;
	s8 =	simm.s32 $0x1C00  }
0x92: {  	[hbm4b:s31+s18] =	stream.strided.scatter [tilespmem:s8], [sflag:$0x5], $0x400, s19, s18, $0x38;
	[tilespmem:$0x10400] =	vst v63  }
0x93: {  	s31 =	sadd.s32 $0x1C0, s30;
	s8 =	simm.s32 $0x2000  }
0x94: {  	[hbm4b:s31+s18] =	stream.strided.scatter [tilespmem:s8], [sflag:$0x5], $0x400, s19, s18, $0x38;
	[tilespmem:$0x10400] =	vst v63  }
0x95: {  	s31 =	sadd.s32 $0x400, s30;
	s8 =	simm.s32 $0x2400  }
0x96: {  	[hbm4b:s31+s18] =	stream.strided.scatter [tilespmem:s8], [sflag:$0x5], $0x400, s19, s18, $0x38;
	[tilespmem:$0x10400] =	vst v63  }
0x97: {  	s31 =	sadd.s32 $0x440, s30;
	s8 =	simm.s32 $0x2800  }
0x98: {  	[hbm4b:s31+s18] =	stream.strided.scatter [tilespmem:s8], [sflag:$0x5], $0x400, s19, s18, $0x38;
	[tilespmem:$0x10400] =	vst v63  }
0x99: {  	s8 =	sadd.s32 $0x480, s30  }
0x9a: {  	[hbm4b:s8+s18] =	stream.strided.scatter [tilespmem:s9], [sflag:$0x5], $0x400, s19, s18, $0x38;
	[tilespmem:$0x10400] =	vst v63  }
0x9b: {  	s31 =	sadd.s32 $0x4C0, s30;
	s8 =	simm.s32 $0x3000  }
0x9c: {  	[hbm4b:s31+s18] =	stream.strided.scatter [tilespmem:s8], [sflag:$0x5], $0x400, s19, s18, $0x38;
	[tilespmem:$0x10400] =	vst v63  }
0x9d: {  	s8 =	sadd.s32 $0x500, s30  }
0x9e: {  	[hbm4b:s8+s18] =	stream.strided.scatter [tilespmem:s11], [sflag:$0x5], $0x400, s19, s18, $0x38;
	[tilespmem:$0x10400] =	vst v63  }
0x9f: {  	s31 =	sadd.s32 $0x540, s30;
	s8 =	simm.s32 $0x3800  }
0xa0: {  	[hbm4b:s31+s18] =	stream.strided.scatter [tilespmem:s8], [sflag:$0x5], $0x400, s19, s18, $0x38;
	[tilespmem:$0x10400] =	vst v63  }
0xa1: {  	s8 =	sadd.s32 $0x580, s30  }
0xa2: {  	[hbm4b:s8+s18] =	stream.strided.scatter [tilespmem:s12], [sflag:$0x5], $0x400, s19, s18, $0x38;
	[tilespmem:$0x10400] =	vst v63  }
0xa3: {  	s31 =	sadd.s32 $0x5C0, s30;
	s8 =	simm.s32 $0x4000  }
0xa4: {  	[hbm4b:s31+s18] =	stream.strided.scatter [tilespmem:s8], [sflag:$0x5], $0x400, s19, s18, $0x38;
	[tilespmem:$0x10400] =	vst v63  }
0xa5: {  	s31 =	simm.s32 $0x2  }
0xa6: {  	_ =	swait.ge [sflag:s31], $0x4000  }
0xa7: {  	[sflag:s31] =	ssyncset.done $0x0  }
0xa8: {  	s8 =	sadd.s32 $0x800, s30;
	[sflag:s31] =	ssyncadd.s32 $0xFFFFC000  }
0xa9: {  	[hbm4b:s8+s18] =	stream.strided.scatter [tilespmem:s13], [sflag:$0x6], $0x400, s19, s18, $0x38;
	[tilespmem:$0x10400] =	vst v63  }
0xaa: {  	s31 =	sadd.s32 $0x840, s30;
	s8 =	simm.s32 $0x4800  }
0xab: {  	[hbm4b:s31+s18] =	stream.strided.scatter [tilespmem:s8], [sflag:$0x6], $0x400, s19, s18, $0x38;
	[tilespmem:$0x10400] =	vst v63  }
0xac: {  	s8 =	sadd.s32 $0x880, s30  }
0xad: {  	[hbm4b:s8+s18] =	stream.strided.scatter [tilespmem:s14], [sflag:$0x6], $0x400, s19, s18, $0x38;
	[tilespmem:$0x10400] =	vst v63  }
0xae: {  	s31 =	sadd.s32 $0x8C0, s30;
	s8 =	simm.s32 $0x5000  }
0xaf: {  	[hbm4b:s31+s18] =	stream.strided.scatter [tilespmem:s8], [sflag:$0x6], $0x400, s19, s18, $0x38;
	[tilespmem:$0x10400] =	vst v63  }
0xb0: {  	s8 =	sadd.s32 $0x900, s30  }
0xb1: {  	[hbm4b:s8+s18] =	stream.strided.scatter [tilespmem:s15], [sflag:$0x6], $0x400, s19, s18, $0x38;
	[tilespmem:$0x10400] =	vst v63  }
0xb2: {  	s31 =	sadd.s32 $0x940, s30;
	s8 =	simm.s32 $0x5800  }
0xb3: {  	[hbm4b:s31+s18] =	stream.strided.scatter [tilespmem:s8], [sflag:$0x6], $0x400, s19, s18, $0x38;
	[tilespmem:$0x10400] =	vst v63  }
0xb4: {  	s8 =	sadd.s32 $0x980, s30  }
0xb5: {  	[hbm4b:s8+s18] =	stream.strided.scatter [tilespmem:s16], [sflag:$0x6], $0x400, s19, s18, $0x38;
	[tilespmem:$0x10400] =	vst v63  }
0xb6: {  	s31 =	sadd.s32 $0x9C0, s30;
	s8 =	simm.s32 $0x6000  }
0xb7: {  	[hbm4b:s31+s18] =	stream.strided.scatter [tilespmem:s8], [sflag:$0x6], $0x400, s19, s18, $0x38;
	[tilespmem:$0x10400] =	vst v63  }
0xb8: {  	s8 =	sadd.s32 $0xC00, s30  }
0xb9: {  	[hbm4b:s8+s18] =	stream.strided.scatter [tilespmem:s17], [sflag:$0x6], $0x400, s19, s18, $0x38;
	[tilespmem:$0x10400] =	vst v63  }
0xba: {  	s31 =	sadd.s32 $0xC40, s30;
	s8 =	simm.s32 $0x6800  }
0xbb: {  	[hbm4b:s31+s18] =	stream.strided.scatter [tilespmem:s8], [sflag:$0x6], $0x400, s19, s18, $0x38;
	[tilespmem:$0x10400] =	vst v63  }
0xbc: {  	s8 =	sadd.s32 $0xC80, s30  }
0xbd: {  	[hbm4b:s8+s18] =	stream.strided.scatter [tilespmem:s20], [sflag:$0x6], $0x400, s19, s18, $0x38;
	[tilespmem:$0x10400] =	vst v63  }
0xbe: {  	s31 =	sadd.s32 $0xCC0, s30;
	s8 =	simm.s32 $0x7000  }
0xbf: {  	[hbm4b:s31+s18] =	stream.strided.scatter [tilespmem:s8], [sflag:$0x6], $0x400, s19, s18, $0x38;
	[tilespmem:$0x10400] =	vst v63  }
0xc0: {  	s8 =	sadd.s32 $0xD00, s30  }
0xc1: {  	[hbm4b:s8+s18] =	stream.strided.scatter [tilespmem:s4], [sflag:$0x6], $0x400, s19, s18, $0x38;
	[tilespmem:$0x10400] =	vst v63  }
0xc2: {  	s31 =	sadd.s32 $0xD40, s30;
	s8 =	simm.s32 $0x7800  }
0xc3: {  	[hbm4b:s31+s18] =	stream.strided.scatter [tilespmem:s8], [sflag:$0x6], $0x400, s19, s18, $0x38;
	[tilespmem:$0x10400] =	vst v63  }
0xc4: {  	s31 =	sadd.s32 $0xD80, s30;
	s8 =	simm.s32 $0x7C00  }
0xc5: {  	[hbm4b:s31+s18] =	stream.strided.scatter [tilespmem:s8], [sflag:$0x6], $0x400, s19, s18, $0x38;
	[tilespmem:$0x10400] =	vst v63  }
0xc6: {  	s31 =	sadd.s32 $0xDC0, s30;
	s8 =	simm.s32 $0x8000  }
0xc7: {  	[hbm4b:s31+s18] =	stream.strided.scatter [tilespmem:s8], [sflag:$0x6], $0x400, s19, s18, $0x38;
	[tilespmem:$0x10400] =	vst v63  }
0xc8: {  	_ =	swait.ge [sflag:s21], $0x4000  }
0xc9: {  	[sflag:s21] =	ssyncset.done $0x0  }
0xca: {  	s8 =	sadd.s32 $0x1000, s30;
	[sflag:s21] =	ssyncadd.s32 $0xFFFFC000  }
0xcb: {  	[hbm4b:s8+s18] =	stream.strided.scatter [tilespmem:s10], [sflag:$0x7], $0x400, s19, s18, $0x38;
	[tilespmem:$0x10400] =	vst v63  }
0xcc: {  	s31 =	sadd.s32 $0x1040, s30;
	s8 =	simm.s32 $0x8800  }
0xcd: {  	[hbm4b:s31+s18] =	stream.strided.scatter [tilespmem:s8], [sflag:$0x7], $0x400, s19, s18, $0x38;
	[tilespmem:$0x10400] =	vst v63  }
0xce: {  	s31 =	sadd.s32 $0x1080, s30;
	s8 =	simm.s32 $0x8C00  }
0xcf: {  	[hbm4b:s31+s18] =	stream.strided.scatter [tilespmem:s8], [sflag:$0x7], $0x400, s19, s18, $0x38;
	[tilespmem:$0x10400] =	vst v63  }
0xd0: {  	s31 =	sadd.s32 $0x10C0, s30;
	s8 =	simm.s32 $0x9000  }
0xd1: {  	[hbm4b:s31+s18] =	stream.strided.scatter [tilespmem:s8], [sflag:$0x7], $0x400, s19, s18, $0x38;
	[tilespmem:$0x10400] =	vst v63  }
0xd2: {  	s31 =	sadd.s32 $0x1100, s30;
	s8 =	simm.s32 $0x9400  }
0xd3: {  	[hbm4b:s31+s18] =	stream.strided.scatter [tilespmem:s8], [sflag:$0x7], $0x400, s19, s18, $0x38;
	[tilespmem:$0x10400] =	vst v63  }
0xd4: {  	s31 =	sadd.s32 $0x1140, s30;
	s8 =	simm.s32 $0x9800  }
0xd5: {  	[hbm4b:s31+s18] =	stream.strided.scatter [tilespmem:s8], [sflag:$0x7], $0x400, s19, s18, $0x38;
	[tilespmem:$0x10400] =	vst v63  }
0xd6: {  	s31 =	sadd.s32 $0x1180, s30;
	s8 =	simm.s32 $0x9C00  }
0xd7: {  	[hbm4b:s31+s18] =	stream.strided.scatter [tilespmem:s8], [sflag:$0x7], $0x400, s19, s18, $0x38;
	[tilespmem:$0x10400] =	vst v63  }
0xd8: {  	s31 =	sadd.s32 $0x11C0, s30;
	s8 =	simm.s32 $0xA000  }
0xd9: {  	[hbm4b:s31+s18] =	stream.strided.scatter [tilespmem:s8], [sflag:$0x7], $0x400, s19, s18, $0x38;
	[tilespmem:$0x10400] =	vst v63  }
0xda: {  	s31 =	sadd.s32 $0x1400, s30;
	s8 =	simm.s32 $0xA400  }
0xdb: {  	[hbm4b:s31+s18] =	stream.strided.scatter [tilespmem:s8], [sflag:$0x7], $0x400, s19, s18, $0x38;
	[tilespmem:$0x10400] =	vst v63  }
0xdc: {  	s31 =	sadd.s32 $0x1440, s30;
	s8 =	simm.s32 $0xA800  }
0xdd: {  	[hbm4b:s31+s18] =	stream.strided.scatter [tilespmem:s8], [sflag:$0x7], $0x400, s19, s18, $0x38;
	[tilespmem:$0x10400] =	vst v63  }
0xde: {  	s31 =	sadd.s32 $0x1480, s30;
	s8 =	simm.s32 $0xAC00  }
0xdf: {  	[hbm4b:s31+s18] =	stream.strided.scatter [tilespmem:s8], [sflag:$0x7], $0x400, s19, s18, $0x38;
	[tilespmem:$0x10400] =	vst v63  }
0xe0: {  	s31 =	sadd.s32 $0x14C0, s30;
	s8 =	simm.s32 $0xB000  }
0xe1: {  	[hbm4b:s31+s18] =	stream.strided.scatter [tilespmem:s8], [sflag:$0x7], $0x400, s19, s18, $0x38;
	[tilespmem:$0x10400] =	vst v63  }
0xe2: {  	s31 =	sadd.s32 $0x1500, s30;
	s8 =	simm.s32 $0xB400  }
0xe3: {  	[hbm4b:s31+s18] =	stream.strided.scatter [tilespmem:s8], [sflag:$0x7], $0x400, s19, s18, $0x38;
	[tilespmem:$0x10400] =	vst v63  }
0xe4: {  	s31 =	sadd.s32 $0x1540, s30;
	s8 =	simm.s32 $0xB800  }
0xe5: {  	[hbm4b:s31+s18] =	stream.strided.scatter [tilespmem:s8], [sflag:$0x7], $0x400, s19, s18, $0x38;
	[tilespmem:$0x10400] =	vst v63  }
0xe6: {  	s31 =	sadd.s32 $0x1580, s30;
	s8 =	simm.s32 $0xBC00  }
0xe7: {  	[hbm4b:s31+s18] =	stream.strided.scatter [tilespmem:s8], [sflag:$0x7], $0x400, s19, s18, $0x38;
	[tilespmem:$0x10400] =	vst v63  }
0xe8: {  	s31 =	sadd.s32 $0x15C0, s30;
	s8 =	simm.s32 $0xC000  }
0xe9: {  	[hbm4b:s31+s18] =	stream.strided.scatter [tilespmem:s8], [sflag:$0x7], $0x400, s19, s18, $0x38;
	[tilespmem:$0x10400] =	vst v63  }
0xea: {  	_ =	swait.ge [sflag:s22], $0x4000  }
0xeb: {  	[sflag:s22] =	ssyncset.done $0x0  }
0xec: {  	s31 =	sadd.s32 $0x1800, s30;
	s8 =	simm.s32 $0xC400;
	[sflag:s22] =	ssyncadd.s32 $0xFFFFC000  }
0xed: {  	[hbm4b:s31+s18] =	stream.strided.scatter [tilespmem:s8], [sflag:$0x8], $0x400, s19, s18, $0x38;
	[tilespmem:$0x10400] =	vst v63  }
0xee: {  	s31 =	sadd.s32 $0x1840, s30;
	s8 =	simm.s32 $0xC800  }
0xef: {  	[hbm4b:s31+s18] =	stream.strided.scatter [tilespmem:s8], [sflag:$0x8], $0x400, s19, s18, $0x38;
	[tilespmem:$0x10400] =	vst v63  }
0xf0: {  	s31 =	sadd.s32 $0x1880, s30;
	s8 =	simm.s32 $0xCC00  }
0xf1: {  	[hbm4b:s31+s18] =	stream.strided.scatter [tilespmem:s8], [sflag:$0x8], $0x400, s19, s18, $0x38;
	[tilespmem:$0x10400] =	vst v63  }
0xf2: {  	s31 =	sadd.s32 $0x18C0, s30;
	s8 =	simm.s32 $0xD000  }
0xf3: {  	[hbm4b:s31+s18] =	stream.strided.scatter [tilespmem:s8], [sflag:$0x8], $0x400, s19, s18, $0x38;
	[tilespmem:$0x10400] =	vst v63  }
0xf4: {  	s31 =	sadd.s32 $0x1900, s30;
	s8 =	simm.s32 $0xD400  }
0xf5: {  	[hbm4b:s31+s18] =	stream.strided.scatter [tilespmem:s8], [sflag:$0x8], $0x400, s19, s18, $0x38;
	[tilespmem:$0x10400] =	vst v63  }
0xf6: {  	s31 =	sadd.s32 $0x1940, s30;
	s8 =	simm.s32 $0xD800  }
0xf7: {  	[hbm4b:s31+s18] =	stream.strided.scatter [tilespmem:s8], [sflag:$0x8], $0x400, s19, s18, $0x38;
	[tilespmem:$0x10400] =	vst v63  }
0xf8: {  	s31 =	sadd.s32 $0x1980, s30;
	s8 =	simm.s32 $0xDC00  }
0xf9: {  	[hbm4b:s31+s18] =	stream.strided.scatter [tilespmem:s8], [sflag:$0x8], $0x400, s19, s18, $0x38;
	[tilespmem:$0x10400] =	vst v63  }
0xfa: {  	s31 =	sadd.s32 $0x19C0, s30;
	s8 =	simm.s32 $0xE000  }
0xfb: {  	[hbm4b:s31+s18] =	stream.strided.scatter [tilespmem:s8], [sflag:$0x8], $0x400, s19, s18, $0x38;
	[tilespmem:$0x10400] =	vst v63  }
0xfc: {  	s31 =	sadd.s32 $0x1C00, s30;
	s8 =	simm.s32 $0xE400  }
0xfd: {  	[hbm4b:s31+s18] =	stream.strided.scatter [tilespmem:s8], [sflag:$0x8], $0x400, s19, s18, $0x38;
	[tilespmem:$0x10400] =	vst v63  }
0xfe: {  	s31 =	sadd.s32 $0x1C40, s30;
	s8 =	simm.s32 $0xE800  }
0xff: {  	[hbm4b:s31+s18] =	stream.strided.scatter [tilespmem:s8], [sflag:$0x8], $0x400, s19, s18, $0x38;
	[tilespmem:$0x10400] =	vst v63  }
0x100: {  	s31 =	sadd.s32 $0x1C80, s30;
	s8 =	simm.s32 $0xEC00  }
0x101: {  	[hbm4b:s31+s18] =	stream.strided.scatter [tilespmem:s8], [sflag:$0x8], $0x400, s19, s18, $0x38;
	[tilespmem:$0x10400] =	vst v63  }
0x102: {  	s31 =	sadd.s32 $0x1CC0, s30;
	s8 =	simm.s32 $0xF000  }
0x103: {  	[hbm4b:s31+s18] =	stream.strided.scatter [tilespmem:s8], [sflag:$0x8], $0x400, s19, s18, $0x38;
	[tilespmem:$0x10400] =	vst v63  }
0x104: {  	s31 =	sadd.s32 $0x1D00, s30;
	s8 =	simm.s32 $0xF400  }
0x105: {  	[hbm4b:s31+s18] =	stream.strided.scatter [tilespmem:s8], [sflag:$0x8], $0x400, s19, s18, $0x38;
	[tilespmem:$0x10400] =	vst v63  }
0x106: {  	p0 =	seq.s32 s29, $0x1E000;
	s31 =	sadd.s32 $0x1D40, s30;
	s8 =	simm.s32 $0xF800  }
0x107: {  	[hbm4b:s31+s18] =	stream.strided.scatter [tilespmem:s8], [sflag:$0x8], $0x400, s19, s18, $0x38;
	[tilespmem:$0x10400] =	vst v63  }
.Ltmp2:
0x108: {  	_ = 	snop;
	(pc) =	sbr.rel @p0 .LBB2_4-.Ltmp2, $4  }
0x109: {  	s0 =	simm.s32 $0x400;
	s8 =	sadd.s32 $0x1D80, s30  }
0x10a: {  	[hbm4b:s8+s18] =	stream.strided.scatter [tilespmem:s2], [sflag:$0x8], $0x400, s19, s18, $0x38;
	[tilespmem:$0x10400] =	vst v63  }
0x10b: {  	s30 =	sadd.s32 $0x1DC0, s30;
	s31 =	simm.s32 $0x10000;
	s2 =	simm.s32 $0xFC00  }
0x10c: {  	[hbm4b:s30+s18] =	stream.strided.scatter [tilespmem:s31], [sflag:$0x8], $0x400, s19, s18, $0x38;
	[tilespmem:$0x10400] =	vst v63  }
0x10d: {  	_ =	swait.ge [sflag:s23], $0x4000  }
0x10e: {  	[sflag:s23] =	ssyncset.done $0x0  }
0x10f: {  	[sflag:s23] =	ssyncadd.s32 $0xFFFFC000  }
0x110: {  	v3 =	vld [tilespmem:s28+$0xFFFFFFD0];
	_ =	sdelay $0x4  }
0x111: {  	v4 =	vshll.u32 v3, $0x3  }
0x112: {  	v3 =	vand.u32 $0x7, v3;
	v4 =	vand.u32 $0xFFFFFFC0, v4  }
0x113: {  	v3 =	vor.u32 v3, v4  }
0x114: {  	v4 =	vperm.xlane v3, v0;
	_ =	sdelay $0x1  }
0x115: {  	v4 =	vadd.s32 v1, v4;
	_ =	sdelay $0x4  }
0x116: {  	[tilespmem:s0], [sflag:$0x1] =	stream.indirect_vreg.gather [hbm4b:s1+s3], $0x80, v4, vm0, $0xb8;
	[tilespmem:$0x10400] =	vst v63  }
0x117: {  	s30 =	simm.s32 $0xC00;
	v3 =	vperm.xlane v3, v2  }
0x118: {  	[tilespmem:s30], [sflag:$0x1] =	stream.indirect_vreg.gather [hbm4b:s5+s3], $0x80, v4, vm0, $0xb8;
	[tilespmem:$0x10400] =	vst v63  }
0x119: {  	s8 =	simm.s32 $0x1400;
	v3 =	vadd.s32 v1, v3  }
0x11a: {  	[tilespmem:s8], [sflag:$0x1] =	stream.indirect_vreg.gather [hbm4b:s6+s3], $0x80, v4, vm0, $0xb8;
	[tilespmem:$0x10400] =	vst v63  }
0x11b: {  	s30 =	simm.s32 $0x1C00  }
0x11c: {  	[tilespmem:s30], [sflag:$0x1] =	stream.indirect_vreg.gather [hbm4b:s7+s3], $0x80, v4, vm0, $0xb8;
	[tilespmem:$0x10400] =	vst v63  }
0x11d: {  	s8 =	simm.s32 $0x2400  }
0x11e: {  	[tilespmem:s8], [sflag:$0x1] =	stream.indirect_vreg.gather [hbm4b:s1+s3], $0x80, v3, vm0, $0xb8;
	[tilespmem:$0x10400] =	vst v63  }
0x11f: {  	_ = 	snop  }
0x120: {  	[tilespmem:s9], [sflag:$0x1] =	stream.indirect_vreg.gather [hbm4b:s5+s3], $0x80, v3, vm0, $0xb8;
	[tilespmem:$0x10400] =	vst v63  }
0x121: {  	_ = 	snop  }
0x122: {  	[tilespmem:s11], [sflag:$0x1] =	stream.indirect_vreg.gather [hbm4b:s6+s3], $0x80, v3, vm0, $0xb8;
	[tilespmem:$0x10400] =	vst v63  }
0x123: {  	_ = 	snop  }
0x124: {  	[tilespmem:s12], [sflag:$0x1] =	stream.indirect_vreg.gather [hbm4b:s7+s3], $0x80, v3, vm0, $0xb8;
	[tilespmem:$0x10400] =	vst v63  }
0x125: {  	_ =	swait.ge [sflag:s24], $0x4000  }
0x126: {  	[sflag:s24] =	ssyncset.done $0x0  }
0x127: {  	[sflag:s24] =	ssyncadd.s32 $0xFFFFC000  }
0x128: {  	v3 =	vld [tilespmem:s28+$0xFFFFFFE0];
	_ =	sdelay $0x4  }
0x129: {  	v61 =	vshll.u32 v3, $0x3  }
0x12a: {  	v3 =	vand.u32 $0x7, v3;
	v4 =	vand.u32 $0xFFFFFFC0, v61  }
0x12b: {  	v3 =	vor.u32 v3, v4  }
0x12c: {  	v4 =	vperm.xlane v3, v0;
	_ =	sdelay $0x1  }
0x12d: {  	v4 =	vadd.s32 v1, v4;
	_ =	sdelay $0x4  }
0x12e: {  	[tilespmem:s13], [sflag:$0x2] =	stream.indirect_vreg.gather [hbm4b:s1+s3], $0x80, v4, vm0, $0xb8;
	[tilespmem:$0x10400] =	vst v63  }
0x12f: {  	v3 =	vperm.xlane v3, v2  }
0x130: {  	[tilespmem:s14], [sflag:$0x2] =	stream.indirect_vreg.gather [hbm4b:s5+s3], $0x80, v4, vm0, $0xb8;
	[tilespmem:$0x10400] =	vst v63  }
0x131: {  	v3 =	vadd.s32 v1, v3  }
0x132: {  	[tilespmem:s15], [sflag:$0x2] =	stream.indirect_vreg.gather [hbm4b:s6+s3], $0x80, v4, vm0, $0xb8;
	[tilespmem:$0x10400] =	vst v63  }
0x133: {  	_ = 	snop  }
0x134: {  	[tilespmem:s16], [sflag:$0x2] =	stream.indirect_vreg.gather [hbm4b:s7+s3], $0x80, v4, vm0, $0xb8;
	[tilespmem:$0x10400] =	vst v63  }
0x135: {  	_ = 	snop  }
0x136: {  	[tilespmem:s17], [sflag:$0x2] =	stream.indirect_vreg.gather [hbm4b:s1+s3], $0x80, v3, vm0, $0xb8;
	[tilespmem:$0x10400] =	vst v63  }
0x137: {  	_ = 	snop  }
0x138: {  	[tilespmem:s20], [sflag:$0x2] =	stream.indirect_vreg.gather [hbm4b:s5+s3], $0x80, v3, vm0, $0xb8;
	[tilespmem:$0x10400] =	vst v63  }
0x139: {  	_ = 	snop  }
0x13a: {  	[tilespmem:s4], [sflag:$0x2] =	stream.indirect_vreg.gather [hbm4b:s6+s3], $0x80, v3, vm0, $0xb8;
	[tilespmem:$0x10400] =	vst v63  }
0x13b: {  	s30 =	simm.s32 $0x7C00  }
0x13c: {  	[tilespmem:s30], [sflag:$0x2] =	stream.indirect_vreg.gather [hbm4b:s7+s3], $0x80, v3, vm0, $0xb8;
	[tilespmem:$0x10400] =	vst v63  }
0x13d: {  	_ =	swait.ge [sflag:s25], $0x4000  }
0x13e: {  	[sflag:s25] =	ssyncset.done $0x0  }
0x13f: {  	[sflag:s25] =	ssyncadd.s32 $0xFFFFC000  }
0x140: {  	v3 =	vld [tilespmem:s28+$0xFFFFFFF0];
	_ =	sdelay $0x4  }
0x141: {  	v62 =	vshll.u32 v3, $0x3  }
0x142: {  	v3 =	vand.u32 $0x7, v3;
	v4 =	vand.u32 $0xFFFFFFC0, v62  }
0x143: {  	v3 =	vor.u32 v3, v4  }
0x144: {  	v4 =	vperm.xlane v3, v0;
	_ =	sdelay $0x1  }
0x145: {  	v4 =	vadd.s32 v1, v4;
	_ =	sdelay $0x4  }
0x146: {  	[tilespmem:s10], [sflag:$0x3] =	stream.indirect_vreg.gather [hbm4b:s1+s3], $0x80, v4, vm0, $0xb8;
	[tilespmem:$0x10400] =	vst v63  }
0x147: {  	s8 =	simm.s32 $0x8C00;
	v3 =	vperm.xlane v3, v2  }
0x148: {  	[tilespmem:s8], [sflag:$0x3] =	stream.indirect_vreg.gather [hbm4b:s5+s3], $0x80, v4, vm0, $0xb8;
	[tilespmem:$0x10400] =	vst v63  }
0x149: {  	s30 =	simm.s32 $0x9400;
	v3 =	vadd.s32 v1, v3  }
0x14a: {  	[tilespmem:s30], [sflag:$0x3] =	stream.indirect_vreg.gather [hbm4b:s6+s3], $0x80, v4, vm0, $0xb8;
	[tilespmem:$0x10400] =	vst v63  }
0x14b: {  	s8 =	simm.s32 $0x9C00  }
0x14c: {  	[tilespmem:s8], [sflag:$0x3] =	stream.indirect_vreg.gather [hbm4b:s7+s3], $0x80, v4, vm0, $0xb8;
	[tilespmem:$0x10400] =	vst v63  }
0x14d: {  	s30 =	simm.s32 $0xA400  }
0x14e: {  	[tilespmem:s30], [sflag:$0x3] =	stream.indirect_vreg.gather [hbm4b:s1+s3], $0x80, v3, vm0, $0xb8;
	[tilespmem:$0x10400] =	vst v63  }
0x14f: {  	s8 =	simm.s32 $0xAC00  }
0x150: {  	[tilespmem:s8], [sflag:$0x3] =	stream.indirect_vreg.gather [hbm4b:s5+s3], $0x80, v3, vm0, $0xb8;
	[tilespmem:$0x10400] =	vst v63  }
0x151: {  	s30 =	simm.s32 $0xB400  }
0x152: {  	[tilespmem:s30], [sflag:$0x3] =	stream.indirect_vreg.gather [hbm4b:s6+s3], $0x80, v3, vm0, $0xb8;
	[tilespmem:$0x10400] =	vst v63  }
0x153: {  	s8 =	simm.s32 $0xBC00  }
0x154: {  	[tilespmem:s8], [sflag:$0x3] =	stream.indirect_vreg.gather [hbm4b:s7+s3], $0x80, v3, vm0, $0xb8;
	[tilespmem:$0x10400] =	vst v63  }
0x155: {  	_ =	swait.ge [sflag:s26], $0x4000  }
0x156: {  	[sflag:s26] =	ssyncset.done $0x0  }
0x157: {  	[sflag:s26] =	ssyncadd.s32 $0xFFFFC000  }
0x158: {  	v3 =	vld [tilespmem:s28+$0x0];
	_ =	sdelay $0x4  }
0x159: {  	v63 =	vshll.u32 v3, $0x3  }
0x15a: {  	v3 =	vand.u32 $0x7, v3;
	v4 =	vand.u32 $0xFFFFFFC0, v63  }
0x15b: {  	v3 =	vor.u32 v3, v4  }
0x15c: {  	v4 =	vperm.xlane v3, v0;
	_ =	sdelay $0x1  }
0x15d: {  	v4 =	vadd.s32 v1, v4;
	_ =	sdelay $0x3  }
0x15e: {  	s30 =	simm.s32 $0xC400  }
0x15f: {  	[tilespmem:s30], [sflag:$0x4] =	stream.indirect_vreg.gather [hbm4b:s1+s3], $0x80, v4, vm0, $0xb8;
	[tilespmem:$0x10400] =	vst v63  }
0x160: {  	s8 =	simm.s32 $0xCC00;
	v3 =	vperm.xlane v3, v2  }
0x161: {  	[tilespmem:s8], [sflag:$0x4] =	stream.indirect_vreg.gather [hbm4b:s5+s3], $0x80, v4, vm0, $0xb8;
	[tilespmem:$0x10400] =	vst v63  }
0x162: {  	v3 =	vadd.s32 v1, v3;
	s30 =	simm.s32 $0xD400  }
0x163: {  	[tilespmem:s30], [sflag:$0x4] =	stream.indirect_vreg.gather [hbm4b:s6+s3], $0x80, v4, vm0, $0xb8;
	[tilespmem:$0x10400] =	vst v63  }
0x164: {  	s8 =	simm.s32 $0xDC00  }
0x165: {  	[tilespmem:s8], [sflag:$0x4] =	stream.indirect_vreg.gather [hbm4b:s7+s3], $0x80, v4, vm0, $0xb8;
	[tilespmem:$0x10400] =	vst v63  }
0x166: {  	s30 =	simm.s32 $0xE400  }
0x167: {  	[tilespmem:s30], [sflag:$0x4] =	stream.indirect_vreg.gather [hbm4b:s1+s3], $0x80, v3, vm0, $0xb8;
	[tilespmem:$0x10400] =	vst v63  }
0x168: {  	s8 =	simm.s32 $0xEC00  }
0x169: {  	[tilespmem:s8], [sflag:$0x4] =	stream.indirect_vreg.gather [hbm4b:s5+s3], $0x80, v3, vm0, $0xb8;
	[tilespmem:$0x10400] =	vst v63  }
.Ltmp3:
0x16a: {  	s30 =	simm.s32 $0xF400;
	(pc) =	sbr.rel .LBB2_2-.Ltmp3, $4  }
0x16b: {  	[tilespmem:s30], [sflag:$0x4] =	stream.indirect_vreg.gather [hbm4b:s6+s3], $0x80, v3, vm0, $0xb8;
	[tilespmem:$0x10400] =	vst v63  }
0x16c: {  	s29 =	sadd.s32 $0x2000, s29  }
0x16d: {  	[tilespmem:s2], [sflag:$0x4] =	stream.indirect_vreg.gather [hbm4b:s7+s3], $0x80, v3, vm0, $0xb8;
	[tilespmem:$0x10400] =	vst v63  }
0x16e: {  	s31 =	simm.s32 $0x400;
	s28 =	sadd.s32 $0x40, s28;
	s2 =	simm.s32 $0xFC00  }
.LBB2_5:
0x16f: {  	_ =	sfence.sel $0x180000  }
0x170: {  	[bflag:$0x0] =	sbarrier.arrive $0xFFFF  }
0x171: {  	_ =	strace $0x90000047  }
0x172: {  	s0 =	stileid.u32;
	[bflag:$0x2] =	sbarrier.arrive $0xFFFF  }
0x173: {  	p0 =	sne.s32 s0, $0x0;
	s0 =	rddreg [dreg:$0x3]  }
0x174: {  	s0 =	sadd.s32 @!p0 $0x100000, s0  }
0x175: {  	[sflag:s0] =	ssyncadd.tile.s32 @!p0 $0x1;
	_ =	shalt  }
.Lfunc_end2:
_tile_overlayer_lowered:
.L_overlay_start_2:
0x176: {  	(tag) =	ssettag $0x2  }
0x177: {  	s0 =	rddreg [dreg:$0x0];
	s2 =	stileid.u32  }
0x178: {  	s1 =	rddreg [dreg:$0x1];
	p0 =	sne.s32 s2, $0x0  }
0x179: {  	s3 =	rddreg [dreg:$0x2];
	[bflag:$0x3] =	sbarrier.arrive $0xFFFF;
	s2 =	simm.s32 @!p0 $0x1C09  }
0x17a: {  	[timem:s3], [sflag:s2] =	dma.local @!p0 [hbm:s0], s1  }
0x17b: {  	s0 =	simm.s32 @!p0 $0x9  }
0x17c: {  	_ =	swait.ge @!p0 [sflag:s0], s1  }
0x17d: {  	s1 =	ssub.s32 @!p0 $0x0, s1;
	[sflag:s0] =	ssyncset.done @!p0 $0x0  }
0x17e: {  	[sflag:s0] =	ssyncadd.s32 @!p0 s1  }
0x17f: {  	[bflag:$0x3] =	sbarrier.arrive $0xFFFF  }
0x180: {  	_ =	shalt  }

</sc_bundles>
